<compile_context>
chip_gen: v7x
topology: tpu7x:2x2x1
jax: 0.10.2.dev20260603
libtpu: 0.0.44.dev20260713+nightly
codegen_flags: <defaults>
</compile_context>

<pallas_src>
import functools

import jax
import jax.numpy as jnp
from jax import lax
from jax.experimental import pallas as pl
from jax.experimental.pallas import tpu as pltpu
from jax.experimental.pallas import tpu_sc as plsc

_INFO = plsc.get_sparse_core_info()
_NC, _NS = _INFO.num_cores, _INFO.num_subcores
_NW = _NC * _NS

_NBUF = 4
_LAG = 2


@functools.partial(jax.jit, static_argnums=(2, 3, 4, 5))
def _sc_gather(table, idx, b_per_w, chunk, n_chunks, seq=200):
    D = table.shape[1]
    B = idx.shape[0]
    rows_per_chunk = chunk // seq
    mesh = plsc.VectorSubcoreMesh(core_axis_name="c", subcore_axis_name="s")

    scratch = (
        [pltpu.VMEM((chunk,), jnp.int32) for _ in range(_NBUF)]
        + [pltpu.VMEM((chunk, D), table.dtype) for _ in range(_NBUF)]
        + [pltpu.SemaphoreType.DMA for _ in range(2 * _NBUF)]
    )

    @functools.partial(
        pl.kernel,
        mesh=mesh,
        out_type=jax.ShapeDtypeStruct((B // seq, seq, D), table.dtype),
        scratch_types=scratch,
        compiler_params=pltpu.CompilerParams(use_tc_tiling_on_sc=False),
    )
    def k(table_hbm, idx_hbm, out_hbm, *bufs):
        idxs = bufs[:_NBUF]
        rows = bufs[_NBUF : 2 * _NBUF]
        gsem = bufs[2 * _NBUF : 3 * _NBUF]
        ssem = bufs[3 * _NBUF :]

        wid = lax.axis_index("s") * _NC + lax.axis_index("c")
        w_base = wid * b_per_w

        def fill(g, b):
            base = w_base + g * chunk
            pltpu.sync_copy(idx_hbm.at[pl.ds(base, chunk)], idxs[b])
            pltpu.async_copy(table_hbm.at[idxs[b]], rows[b], gsem[b])

        def drain(g, b):
            pltpu.make_async_copy(table_hbm.at[idxs[b]], rows[b], gsem[b]).wait()
            brow = (w_base + g * chunk) // seq
            for r in range(rows_per_chunk):
                pltpu.async_copy(
                    rows[b].at[pl.ds(r * seq, seq)],
                    out_hbm.at[brow + r],
                    ssem[b],
                )

        def store_wait(g, b):
            for r in range(rows_per_chunk):
                pltpu.make_async_copy(
                    rows[b].at[pl.ds(r * seq, seq)], out_hbm.at[0], ssem[b]
                ).wait()

        for g in range(_NBUF):
            if g >= _LAG:
                drain(g - _LAG, g - _LAG)
            fill(g, g)

        def round_body(r, carry):
            for b in range(_NBUF):
                g = r * _NBUF + b
                drain(g - _LAG, (b + _NBUF - _LAG) % _NBUF)
                store_wait(g - _NBUF, b)
                fill(g, b)
            return carry

        lax.fori_loop(1, n_chunks // _NBUF, round_body, 0)

        for i in range(_LAG):
            g = n_chunks - _LAG + i
            drain(g, g % _NBUF)
        for i in range(_NBUF):
            g = n_chunks - _NBUF + i
            store_wait(g, g % _NBUF)

    return k(table, idx)


def kernel(x, table):
    Bt, S = x.shape
    D = table.shape[1]
    B = Bt * S
    idx = x.reshape(B).astype(jnp.int32)
    chunk = 400
    assert B % (_NW * chunk) == 0
    b_per_w = B // _NW
    n_chunks = b_per_w // chunk
    assert n_chunks % _NBUF == 0
    out = _sc_gather(table, idx, b_per_w, chunk, n_chunks, S)
    return out

# --- scband reference (transcript-rebuilt; emitter-appended) ---
"""Pipeline reference for scband-input-embeddings-79525614453170 (READ-ONLY COPY).

The authoritative reference and input builder live on the scoring server;
editing this copy changes nothing except your own understanding.
"""

import jax, jax.numpy as jnp
import numpy as np

VOCAB = 1000000
DIM = 64
BATCH = 4096
SEQ = 200

def setup_inputs(seed: int = 0) -> dict:
    key = jax.random.key(seed)
    k_idx, k_tab = jax.random.split(key)
    x = jax.random.randint(k_idx, (BATCH, SEQ), 0, VOCAB, dtype=jnp.int64) if jax.config.jax_enable_x64 else jax.random.randint(k_idx, (BATCH, SEQ), 0, VOCAB, dtype=jnp.int32)
    table = jax.random.normal(k_tab, (VOCAB, DIM), dtype=jnp.float32)
    return {"x": x, "table": table}

def reference(x, table):
    # nn.Embedding forward: gather rows of the embedding table by token index
    return jnp.take(table, x, axis=0)

if __name__ == "__main__":
    import jax
    _d = setup_inputs()
    print(jax.jit(kernel)(*tuple(_d.values())))

</pallas_src>

<mosaic_0001>
#map = affine_map<(d0, d1) -> (0, 0)>
#map1 = affine_map<(d0, d1) -> (0)>
#map2 = affine_map<(d0, d1) -> (0, 0, 0)>
module attributes {stable_mosaic.version = 14 : i64} {
  func.func @k(%arg0: i32, %arg1: i32, %arg2: memref<1000000x64xf32, #tpu.memory_space<hbm>>, %arg3: memref<819200xi32, #tpu.memory_space<hbm>>, %arg4: memref<4096x200x64xf32, #tpu.memory_space<hbm>>, %arg5: memref<400xi32, #tpu.memory_space<vmem>>, %arg6: memref<400xi32, #tpu.memory_space<vmem>>, %arg7: memref<400xi32, #tpu.memory_space<vmem>>, %arg8: memref<400xi32, #tpu.memory_space<vmem>>, %arg9: memref<400x64xf32, #tpu.memory_space<vmem>>, %arg10: memref<400x64xf32, #tpu.memory_space<vmem>>, %arg11: memref<400x64xf32, #tpu.memory_space<vmem>>, %arg12: memref<400x64xf32, #tpu.memory_space<vmem>>, %arg13: memref<!tpu.dma_semaphore, #tpu.memory_space<semaphore_mem>>, %arg14: memref<!tpu.dma_semaphore, #tpu.memory_space<semaphore_mem>>, %arg15: memref<!tpu.dma_semaphore, #tpu.memory_space<semaphore_mem>>, %arg16: memref<!tpu.dma_semaphore, #tpu.memory_space<semaphore_mem>>, %arg17: memref<!tpu.dma_semaphore, #tpu.memory_space<semaphore_mem>>, %arg18: memref<!tpu.dma_semaphore, #tpu.memory_space<semaphore_mem>>, %arg19: memref<!tpu.dma_semaphore, #tpu.memory_space<semaphore_mem>>, %arg20: memref<!tpu.dma_semaphore, #tpu.memory_space<semaphore_mem>>) attributes {dimension_semantics = [#tpu.dimension_semantics<core_parallel>, #tpu.dimension_semantics<subcore_parallel>], iteration_bounds = array<i64: 2, 16>, scalar_prefetch = 0 : i64, scratch_operands = 16 : i64, tpu.core_type = #tpu.core_type<sc_vector_subcore>, window_params = [{transform_indices = #map}, {transform_indices = #map1}, {transform_indices = #map2}]} {
    %mul3A = arith.constant 2 : i32
    %mul3A_0 = arith.muli %arg1, %mul3A : i32
    %add3A = arith.addi %mul3A_0, %arg0 : i32
    %mul3A_1 = arith.constant 25600 : i32
    %mul3A_2 = arith.muli %add3A, %mul3A_1 : i32
    %add3A_3 = arith.constant 0 : i32
    %add3A_4 = arith.addi %mul3A_2, %add3A_3 : i32
    "tpu.region"() ({
      %run_scoped3A = tpu.sem_alloc : memref<!tpu.dma_semaphore, #tpu.memory_space<semaphore_mem>>
      %dma_start3A_382 = tpu.memref_slice %arg3[%add3A_4] : memref<819200xi32, #tpu.memory_space<hbm>> -> memref<400xi32, #tpu.memory_space<hbm>>
      %dma_start3A_383 = tpu.memref_slice %arg3[%add3A_4] : memref<819200xi32, #tpu.memory_space<hbm>> -> memref<400xi32, #tpu.memory_space<hbm>>
      tpu.enqueue_dma source(%dma_start3A_383 : memref<400xi32, #tpu.memory_space<hbm>>) target(%arg5 : memref<400xi32, #tpu.memory_space<vmem>>) target_semaphore(%run_scoped3A : memref<!tpu.dma_semaphore, #tpu.memory_space<semaphore_mem>>)
      %dma_wait3A_384 = tpu.memref_slice %arg3[%add3A_4] : memref<819200xi32, #tpu.memory_space<hbm>> -> memref<400xi32, #tpu.memory_space<hbm>>
      %dma_wait3A_385 = tpu.memref_slice %arg3[%add3A_4] : memref<819200xi32, #tpu.memory_space<hbm>> -> memref<400xi32, #tpu.memory_space<hbm>>
      tpu.wait_dma2 semaphore(%run_scoped3A : memref<!tpu.dma_semaphore, #tpu.memory_space<semaphore_mem>>) src(%dma_wait3A_385 : memref<400xi32, #tpu.memory_space<hbm>>) dst(%arg5 : memref<400xi32, #tpu.memory_space<vmem>>)
      tpu.yield
    }) : () -> ()
    %dma_start3A = arith.constant 0 : i32
    %dma_start3A_5 = arith.constant 0 : i32
    %dma_start3A_6 = tpu.memref_slice %arg2[%dma_start3A, %dma_start3A_5] : memref<1000000x64xf32, #tpu.memory_space<hbm>> -> memref<1000000x64xf32, #tpu.memory_space<hbm>>
    tpu.enqueue_indirect_dma source(%dma_start3A_6 : memref<1000000x64xf32, #tpu.memory_space<hbm>>) target(%arg9 : memref<400x64xf32, #tpu.memory_space<vmem>>) offsets(%arg5 : memref<400xi32, #tpu.memory_space<vmem>>) semaphore(%arg13 : memref<!tpu.dma_semaphore, #tpu.memory_space<semaphore_mem>>)
    %add3A_7 = arith.constant 400 : i32
    %add3A_8 = arith.addi %mul3A_2, %add3A_7 : i32
    "tpu.region"() ({
      %run_scoped3A = tpu.sem_alloc : memref<!tpu.dma_semaphore, #tpu.memory_space<semaphore_mem>>
      %dma_start3A_382 = tpu.memref_slice %arg3[%add3A_8] : memref<819200xi32, #tpu.memory_space<hbm>> -> memref<400xi32, #tpu.memory_space<hbm>>
      %dma_start3A_383 = tpu.memref_slice %arg3[%add3A_8] : memref<819200xi32, #tpu.memory_space<hbm>> -> memref<400xi32, #tpu.memory_space<hbm>>
      tpu.enqueue_dma source(%dma_start3A_383 : memref<400xi32, #tpu.memory_space<hbm>>) target(%arg6 : memref<400xi32, #tpu.memory_space<vmem>>) target_semaphore(%run_scoped3A : memref<!tpu.dma_semaphore, #tpu.memory_space<semaphore_mem>>)
      %dma_wait3A_384 = tpu.memref_slice %arg3[%add3A_8] : memref<819200xi32, #tpu.memory_space<hbm>> -> memref<400xi32, #tpu.memory_space<hbm>>
      %dma_wait3A_385 = tpu.memref_slice %arg3[%add3A_8] : memref<819200xi32, #tpu.memory_space<hbm>> -> memref<400xi32, #tpu.memory_space<hbm>>
      tpu.wait_dma2 semaphore(%run_scoped3A : memref<!tpu.dma_semaphore, #tpu.memory_space<semaphore_mem>>) src(%dma_wait3A_385 : memref<400xi32, #tpu.memory_space<hbm>>) dst(%arg6 : memref<400xi32, #tpu.memory_space<vmem>>)
      tpu.yield
    }) : () -> ()
    %dma_start3A_9 = arith.constant 0 : i32
    %dma_start3A_10 = arith.constant 0 : i32
    %dma_start3A_11 = tpu.memref_slice %arg2[%dma_start3A_9, %dma_start3A_10] : memref<1000000x64xf32, #tpu.memory_space<hbm>> -> memref<1000000x64xf32, #tpu.memory_space<hbm>>
    tpu.enqueue_indirect_dma source(%dma_start3A_11 : memref<1000000x64xf32, #tpu.memory_space<hbm>>) target(%arg10 : memref<400x64xf32, #tpu.memory_space<vmem>>) offsets(%arg6 : memref<400xi32, #tpu.memory_space<vmem>>) semaphore(%arg14 : memref<!tpu.dma_semaphore, #tpu.memory_space<semaphore_mem>>)
    %dma_wait3A = arith.constant 0 : i32
    %dma_wait3A_12 = arith.constant 0 : i32
    %dma_wait3A_13 = tpu.memref_slice %arg2[%dma_wait3A, %dma_wait3A_12] : memref<1000000x64xf32, #tpu.memory_space<hbm>> -> memref<1000000x64xf32, #tpu.memory_space<hbm>>
    tpu.wait_indirect_dma semaphore(%arg13 : memref<!tpu.dma_semaphore, #tpu.memory_space<semaphore_mem>>) src(%dma_wait3A_13 : memref<1000000x64xf32, #tpu.memory_space<hbm>>) dst(%arg9 : memref<400x64xf32, #tpu.memory_space<vmem>>)
    %add3A_14 = arith.constant 0 : i32
    %add3A_15 = arith.addi %mul3A_2, %add3A_14 : i32
    %jit3A = arith.constant 200 : i32
    %div3A = arith.divsi %add3A_15, %jit3A : i32
    %sign3A = arith.constant 0 : i32
    %sign3A_16 = arith.cmpi sgt, %add3A_15, %sign3A : i32
    %sign3A_17 = arith.extui %sign3A_16 : i1 to i32
    %sign3A_18 = arith.constant 0 : i32
    %sign3A_19 = arith.cmpi slt, %add3A_15, %sign3A_18 : i32
    %sign3A_20 = arith.extui %sign3A_19 : i1 to i32
    %sign3A_21 = arith.subi %sign3A_17, %sign3A_20 : i32
    %sign3A_22 = arith.constant 0 : i32
    %sign3A_23 = arith.cmpi sgt, %jit3A, %sign3A_22 : i32
    %sign3A_24 = arith.extui %sign3A_23 : i1 to i32
    %sign3A_25 = arith.constant 0 : i32
    %sign3A_26 = arith.cmpi slt, %jit3A, %sign3A_25 : i32
    %sign3A_27 = arith.extui %sign3A_26 : i1 to i32
    %sign3A_28 = arith.subi %sign3A_24, %sign3A_27 : i32
    %ne3A = arith.cmpi ne, %sign3A_21, %sign3A_28 : i32
    %rem3A = arith.remsi %add3A_15, %jit3A : i32
    %ne3A_29 = arith.constant 0 : i32
    %ne3A_30 = arith.cmpi ne, %rem3A, %ne3A_29 : i32
    %and3A = arith.andi %ne3A, %ne3A_30 : i1
    %sub3A = arith.constant 1 : i32
    %sub3A_31 = arith.subi %div3A, %sub3A : i32
    %select_n3A = arith.select %and3A, %sub3A_31, %div3A : i32
    %add3A_32 = arith.constant 0 : i32
    %add3A_33 = arith.addi %select_n3A, %add3A_32 : i32
    %dma_start3A_34 = arith.constant 0 : i32
    %dma_start3A_35 = arith.constant 0 : i32
    %dma_start3A_36 = tpu.memref_slice %arg9[%dma_start3A_34, %dma_start3A_35] : memref<400x64xf32, #tpu.memory_space<vmem>> -> memref<200x64xf32, #tpu.memory_space<vmem>>
    %dma_start3A_37 = arith.constant 0 : i32
    %dma_start3A_38 = arith.constant 0 : i32
    %dma_start3A_39 = tpu.memref_slice %arg4[%add3A_33, %dma_start3A_37, %dma_start3A_38] : memref<4096x200x64xf32, #tpu.memory_space<hbm>> -> memref<1x200x64xf32, #tpu.memory_space<hbm>>
    %dma_start3A_40 = tpu.memref_squeeze %dma_start3A_39 : memref<1x200x64xf32, #tpu.memory_space<hbm>> -> memref<200x64xf32, #tpu.memory_space<hbm>>
    %dma_start3A_41 = arith.constant 0 : i32
    %dma_start3A_42 = arith.constant 0 : i32
    %dma_start3A_43 = tpu.memref_slice %arg4[%add3A_33, %dma_start3A_41, %dma_start3A_42] : memref<4096x200x64xf32, #tpu.memory_space<hbm>> -> memref<1x200x64xf32, #tpu.memory_space<hbm>>
    %dma_start3A_44 = tpu.memref_squeeze %dma_start3A_43 : memref<1x200x64xf32, #tpu.memory_space<hbm>> -> memref<200x64xf32, #tpu.memory_space<hbm>>
    %dma_start3A_45 = arith.constant 0 : i32
    %dma_start3A_46 = arith.constant 0 : i32
    %dma_start3A_47 = tpu.memref_slice %arg9[%dma_start3A_45, %dma_start3A_46] : memref<400x64xf32, #tpu.memory_space<vmem>> -> memref<200x64xf32, #tpu.memory_space<vmem>>
    tpu.enqueue_dma source(%dma_start3A_47 : memref<200x64xf32, #tpu.memory_space<vmem>>) target(%dma_start3A_44 : memref<200x64xf32, #tpu.memory_space<hbm>>) target_semaphore(%arg17 : memref<!tpu.dma_semaphore, #tpu.memory_space<semaphore_mem>>)
    %add3A_48 = arith.constant 1 : i32
    %add3A_49 = arith.addi %select_n3A, %add3A_48 : i32
    %dma_start3A_50 = arith.constant 200 : i32
    %dma_start3A_51 = arith.constant 0 : i32
    %dma_start3A_52 = tpu.memref_slice %arg9[%dma_start3A_50, %dma_start3A_51] : memref<400x64xf32, #tpu.memory_space<vmem>> -> memref<200x64xf32, #tpu.memory_space<vmem>>
    %dma_start3A_53 = arith.constant 0 : i32
    %dma_start3A_54 = arith.constant 0 : i32
    %dma_start3A_55 = tpu.memref_slice %arg4[%add3A_49, %dma_start3A_53, %dma_start3A_54] : memref<4096x200x64xf32, #tpu.memory_space<hbm>> -> memref<1x200x64xf32, #tpu.memory_space<hbm>>
    %dma_start3A_56 = tpu.memref_squeeze %dma_start3A_55 : memref<1x200x64xf32, #tpu.memory_space<hbm>> -> memref<200x64xf32, #tpu.memory_space<hbm>>
    %dma_start3A_57 = arith.constant 0 : i32
    %dma_start3A_58 = arith.constant 0 : i32
    %dma_start3A_59 = tpu.memref_slice %arg4[%add3A_49, %dma_start3A_57, %dma_start3A_58] : memref<4096x200x64xf32, #tpu.memory_space<hbm>> -> memref<1x200x64xf32, #tpu.memory_space<hbm>>
    %dma_start3A_60 = tpu.memref_squeeze %dma_start3A_59 : memref<1x200x64xf32, #tpu.memory_space<hbm>> -> memref<200x64xf32, #tpu.memory_space<hbm>>
    %dma_start3A_61 = arith.constant 200 : i32
    %dma_start3A_62 = arith.constant 0 : i32
    %dma_start3A_63 = tpu.memref_slice %arg9[%dma_start3A_61, %dma_start3A_62] : memref<400x64xf32, #tpu.memory_space<vmem>> -> memref<200x64xf32, #tpu.memory_space<vmem>>
    tpu.enqueue_dma source(%dma_start3A_63 : memref<200x64xf32, #tpu.memory_space<vmem>>) target(%dma_start3A_60 : memref<200x64xf32, #tpu.memory_space<hbm>>) target_semaphore(%arg17 : memref<!tpu.dma_semaphore, #tpu.memory_space<semaphore_mem>>)
    %add3A_64 = arith.constant 800 : i32
    %add3A_65 = arith.addi %mul3A_2, %add3A_64 : i32
    "tpu.region"() ({
      %run_scoped3A = tpu.sem_alloc : memref<!tpu.dma_semaphore, #tpu.memory_space<semaphore_mem>>
      %dma_start3A_382 = tpu.memref_slice %arg3[%add3A_65] : memref<819200xi32, #tpu.memory_space<hbm>> -> memref<400xi32, #tpu.memory_space<hbm>>
      %dma_start3A_383 = tpu.memref_slice %arg3[%add3A_65] : memref<819200xi32, #tpu.memory_space<hbm>> -> memref<400xi32, #tpu.memory_space<hbm>>
      tpu.enqueue_dma source(%dma_start3A_383 : memref<400xi32, #tpu.memory_space<hbm>>) target(%arg7 : memref<400xi32, #tpu.memory_space<vmem>>) target_semaphore(%run_scoped3A : memref<!tpu.dma_semaphore, #tpu.memory_space<semaphore_mem>>)
      %dma_wait3A_384 = tpu.memref_slice %arg3[%add3A_65] : memref<819200xi32, #tpu.memory_space<hbm>> -> memref<400xi32, #tpu.memory_space<hbm>>
      %dma_wait3A_385 = tpu.memref_slice %arg3[%add3A_65] : memref<819200xi32, #tpu.memory_space<hbm>> -> memref<400xi32, #tpu.memory_space<hbm>>
      tpu.wait_dma2 semaphore(%run_scoped3A : memref<!tpu.dma_semaphore, #tpu.memory_space<semaphore_mem>>) src(%dma_wait3A_385 : memref<400xi32, #tpu.memory_space<hbm>>) dst(%arg7 : memref<400xi32, #tpu.memory_space<vmem>>)
      tpu.yield
    }) : () -> ()
    %dma_start3A_66 = arith.constant 0 : i32
    %dma_start3A_67 = arith.constant 0 : i32
    %dma_start3A_68 = tpu.memref_slice %arg2[%dma_start3A_66, %dma_start3A_67] : memref<1000000x64xf32, #tpu.memory_space<hbm>> -> memref<1000000x64xf32, #tpu.memory_space<hbm>>
    tpu.enqueue_indirect_dma source(%dma_start3A_68 : memref<1000000x64xf32, #tpu.memory_space<hbm>>) target(%arg11 : memref<400x64xf32, #tpu.memory_space<vmem>>) offsets(%arg7 : memref<400xi32, #tpu.memory_space<vmem>>) semaphore(%arg15 : memref<!tpu.dma_semaphore, #tpu.memory_space<semaphore_mem>>)
    %dma_wait3A_69 = arith.constant 0 : i32
    %dma_wait3A_70 = arith.constant 0 : i32
    %dma_wait3A_71 = tpu.memref_slice %arg2[%dma_wait3A_69, %dma_wait3A_70] : memref<1000000x64xf32, #tpu.memory_space<hbm>> -> memref<1000000x64xf32, #tpu.memory_space<hbm>>
    tpu.wait_indirect_dma semaphore(%arg14 : memref<!tpu.dma_semaphore, #tpu.memory_space<semaphore_mem>>) src(%dma_wait3A_71 : memref<1000000x64xf32, #tpu.memory_space<hbm>>) dst(%arg10 : memref<400x64xf32, #tpu.memory_space<vmem>>)
    %add3A_72 = arith.constant 400 : i32
    %add3A_73 = arith.addi %mul3A_2, %add3A_72 : i32
    %jit3A_74 = arith.constant 200 : i32
    %div3A_75 = arith.divsi %add3A_73, %jit3A_74 : i32
    %sign3A_76 = arith.constant 0 : i32
    %sign3A_77 = arith.cmpi sgt, %add3A_73, %sign3A_76 : i32
    %sign3A_78 = arith.extui %sign3A_77 : i1 to i32
    %sign3A_79 = arith.constant 0 : i32
    %sign3A_80 = arith.cmpi slt, %add3A_73, %sign3A_79 : i32
    %sign3A_81 = arith.extui %sign3A_80 : i1 to i32
    %sign3A_82 = arith.subi %sign3A_78, %sign3A_81 : i32
    %sign3A_83 = arith.constant 0 : i32
    %sign3A_84 = arith.cmpi sgt, %jit3A_74, %sign3A_83 : i32
    %sign3A_85 = arith.extui %sign3A_84 : i1 to i32
    %sign3A_86 = arith.constant 0 : i32
    %sign3A_87 = arith.cmpi slt, %jit3A_74, %sign3A_86 : i32
    %sign3A_88 = arith.extui %sign3A_87 : i1 to i32
    %sign3A_89 = arith.subi %sign3A_85, %sign3A_88 : i32
    %ne3A_90 = arith.cmpi ne, %sign3A_82, %sign3A_89 : i32
    %rem3A_91 = arith.remsi %add3A_73, %jit3A_74 : i32
    %ne3A_92 = arith.constant 0 : i32
    %ne3A_93 = arith.cmpi ne, %rem3A_91, %ne3A_92 : i32
    %and3A_94 = arith.andi %ne3A_90, %ne3A_93 : i1
    %sub3A_95 = arith.constant 1 : i32
    %sub3A_96 = arith.subi %div3A_75, %sub3A_95 : i32
    %select_n3A_97 = arith.select %and3A_94, %sub3A_96, %div3A_75 : i32
    %add3A_98 = arith.constant 0 : i32
    %add3A_99 = arith.addi %select_n3A_97, %add3A_98 : i32
    %dma_start3A_100 = arith.constant 0 : i32
    %dma_start3A_101 = arith.constant 0 : i32
    %dma_start3A_102 = tpu.memref_slice %arg10[%dma_start3A_100, %dma_start3A_101] : memref<400x64xf32, #tpu.memory_space<vmem>> -> memref<200x64xf32, #tpu.memory_space<vmem>>
    %dma_start3A_103 = arith.constant 0 : i32
    %dma_start3A_104 = arith.constant 0 : i32
    %dma_start3A_105 = tpu.memref_slice %arg4[%add3A_99, %dma_start3A_103, %dma_start3A_104] : memref<4096x200x64xf32, #tpu.memory_space<hbm>> -> memref<1x200x64xf32, #tpu.memory_space<hbm>>
    %dma_start3A_106 = tpu.memref_squeeze %dma_start3A_105 : memref<1x200x64xf32, #tpu.memory_space<hbm>> -> memref<200x64xf32, #tpu.memory_space<hbm>>
    %dma_start3A_107 = arith.constant 0 : i32
    %dma_start3A_108 = arith.constant 0 : i32
    %dma_start3A_109 = tpu.memref_slice %arg4[%add3A_99, %dma_start3A_107, %dma_start3A_108] : memref<4096x200x64xf32, #tpu.memory_space<hbm>> -> memref<1x200x64xf32, #tpu.memory_space<hbm>>
    %dma_start3A_110 = tpu.memref_squeeze %dma_start3A_109 : memref<1x200x64xf32, #tpu.memory_space<hbm>> -> memref<200x64xf32, #tpu.memory_space<hbm>>
    %dma_start3A_111 = arith.constant 0 : i32
    %dma_start3A_112 = arith.constant 0 : i32
    %dma_start3A_113 = tpu.memref_slice %arg10[%dma_start3A_111, %dma_start3A_112] : memref<400x64xf32, #tpu.memory_space<vmem>> -> memref<200x64xf32, #tpu.memory_space<vmem>>
    tpu.enqueue_dma source(%dma_start3A_113 : memref<200x64xf32, #tpu.memory_space<vmem>>) target(%dma_start3A_110 : memref<200x64xf32, #tpu.memory_space<hbm>>) target_semaphore(%arg18 : memref<!tpu.dma_semaphore, #tpu.memory_space<semaphore_mem>>)
    %add3A_114 = arith.constant 1 : i32
    %add3A_115 = arith.addi %select_n3A_97, %add3A_114 : i32
    %dma_start3A_116 = arith.constant 200 : i32
    %dma_start3A_117 = arith.constant 0 : i32
    %dma_start3A_118 = tpu.memref_slice %arg10[%dma_start3A_116, %dma_start3A_117] : memref<400x64xf32, #tpu.memory_space<vmem>> -> memref<200x64xf32, #tpu.memory_space<vmem>>
    %dma_start3A_119 = arith.constant 0 : i32
    %dma_start3A_120 = arith.constant 0 : i32
    %dma_start3A_121 = tpu.memref_slice %arg4[%add3A_115, %dma_start3A_119, %dma_start3A_120] : memref<4096x200x64xf32, #tpu.memory_space<hbm>> -> memref<1x200x64xf32, #tpu.memory_space<hbm>>
    %dma_start3A_122 = tpu.memref_squeeze %dma_start3A_121 : memref<1x200x64xf32, #tpu.memory_space<hbm>> -> memref<200x64xf32, #tpu.memory_space<hbm>>
    %dma_start3A_123 = arith.constant 0 : i32
    %dma_start3A_124 = arith.constant 0 : i32
    %dma_start3A_125 = tpu.memref_slice %arg4[%add3A_115, %dma_start3A_123, %dma_start3A_124] : memref<4096x200x64xf32, #tpu.memory_space<hbm>> -> memref<1x200x64xf32, #tpu.memory_space<hbm>>
    %dma_start3A_126 = tpu.memref_squeeze %dma_start3A_125 : memref<1x200x64xf32, #tpu.memory_space<hbm>> -> memref<200x64xf32, #tpu.memory_space<hbm>>
    %dma_start3A_127 = arith.constant 200 : i32
    %dma_start3A_128 = arith.constant 0 : i32
    %dma_start3A_129 = tpu.memref_slice %arg10[%dma_start3A_127, %dma_start3A_128] : memref<400x64xf32, #tpu.memory_space<vmem>> -> memref<200x64xf32, #tpu.memory_space<vmem>>
    tpu.enqueue_dma source(%dma_start3A_129 : memref<200x64xf32, #tpu.memory_space<vmem>>) target(%dma_start3A_126 : memref<200x64xf32, #tpu.memory_space<hbm>>) target_semaphore(%arg18 : memref<!tpu.dma_semaphore, #tpu.memory_space<semaphore_mem>>)
    %add3A_130 = arith.constant 1200 : i32
    %add3A_131 = arith.addi %mul3A_2, %add3A_130 : i32
    "tpu.region"() ({
      %run_scoped3A = tpu.sem_alloc : memref<!tpu.dma_semaphore, #tpu.memory_space<semaphore_mem>>
      %dma_start3A_382 = tpu.memref_slice %arg3[%add3A_131] : memref<819200xi32, #tpu.memory_space<hbm>> -> memref<400xi32, #tpu.memory_space<hbm>>
      %dma_start3A_383 = tpu.memref_slice %arg3[%add3A_131] : memref<819200xi32, #tpu.memory_space<hbm>> -> memref<400xi32, #tpu.memory_space<hbm>>
      tpu.enqueue_dma source(%dma_start3A_383 : memref<400xi32, #tpu.memory_space<hbm>>) target(%arg8 : memref<400xi32, #tpu.memory_space<vmem>>) target_semaphore(%run_scoped3A : memref<!tpu.dma_semaphore, #tpu.memory_space<semaphore_mem>>)
      %dma_wait3A_384 = tpu.memref_slice %arg3[%add3A_131] : memref<819200xi32, #tpu.memory_space<hbm>> -> memref<400xi32, #tpu.memory_space<hbm>>
      %dma_wait3A_385 = tpu.memref_slice %arg3[%add3A_131] : memref<819200xi32, #tpu.memory_space<hbm>> -> memref<400xi32, #tpu.memory_space<hbm>>
      tpu.wait_dma2 semaphore(%run_scoped3A : memref<!tpu.dma_semaphore, #tpu.memory_space<semaphore_mem>>) src(%dma_wait3A_385 : memref<400xi32, #tpu.memory_space<hbm>>) dst(%arg8 : memref<400xi32, #tpu.memory_space<vmem>>)
      tpu.yield
    }) : () -> ()
    %dma_start3A_132 = arith.constant 0 : i32
    %dma_start3A_133 = arith.constant 0 : i32
    %dma_start3A_134 = tpu.memref_slice %arg2[%dma_start3A_132, %dma_start3A_133] : memref<1000000x64xf32, #tpu.memory_space<hbm>> -> memref<1000000x64xf32, #tpu.memory_space<hbm>>
    tpu.enqueue_indirect_dma source(%dma_start3A_134 : memref<1000000x64xf32, #tpu.memory_space<hbm>>) target(%arg12 : memref<400x64xf32, #tpu.memory_space<vmem>>) offsets(%arg8 : memref<400xi32, #tpu.memory_space<vmem>>) semaphore(%arg16 : memref<!tpu.dma_semaphore, #tpu.memory_space<semaphore_mem>>)
    %scan3A = arith.constant 0 : i32
    %scan3A_135 = arith.constant 1 : i32
    %scan3A_136 = arith.constant 15 : i32
    %scan3A_137 = arith.addi %scan3A_135, %scan3A_136 : i32
    %scan3A_138 = arith.constant 1 : i32
    scf.for %scan3A_382 = %scan3A_135 to %scan3A_137 step %scan3A_138  : i32 {
      %mul3A_383 = arith.constant 4 : i32
      %mul3A_384 = arith.muli %scan3A_382, %mul3A_383 : i32
      %add3A_385 = arith.constant 0 : i32
      %add3A_386 = arith.addi %mul3A_384, %add3A_385 : i32
      %sub3A_387 = arith.constant 2 : i32
      %sub3A_388 = arith.subi %add3A_386, %sub3A_387 : i32
      %dma_wait3A_389 = arith.constant 0 : i32
      %dma_wait3A_390 = arith.constant 0 : i32
      %dma_wait3A_391 = tpu.memref_slice %arg2[%dma_wait3A_389, %dma_wait3A_390] : memref<1000000x64xf32, #tpu.memory_space<hbm>> -> memref<1000000x64xf32, #tpu.memory_space<hbm>>
      tpu.wait_indirect_dma semaphore(%arg15 : memref<!tpu.dma_semaphore, #tpu.memory_space<semaphore_mem>>) src(%dma_wait3A_391 : memref<1000000x64xf32, #tpu.memory_space<hbm>>) dst(%arg11 : memref<400x64xf32, #tpu.memory_space<vmem>>)
      %mul3A_392 = arith.constant 400 : i32
      %mul3A_393 = arith.muli %sub3A_388, %mul3A_392 : i32
      %add3A_394 = arith.addi %mul3A_2, %mul3A_393 : i32
      %jit3A_395 = arith.constant 200 : i32
      %div3A_396 = arith.divsi %add3A_394, %jit3A_395 : i32
      %sign3A_397 = arith.constant 0 : i32
      %sign3A_398 = arith.cmpi sgt, %add3A_394, %sign3A_397 : i32
      %sign3A_399 = arith.extui %sign3A_398 : i1 to i32
      %sign3A_400 = arith.constant 0 : i32
      %sign3A_401 = arith.cmpi slt, %add3A_394, %sign3A_400 : i32
      %sign3A_402 = arith.extui %sign3A_401 : i1 to i32
      %sign3A_403 = arith.subi %sign3A_399, %sign3A_402 : i32
      %sign3A_404 = arith.constant 0 : i32
      %sign3A_405 = arith.cmpi sgt, %jit3A_395, %sign3A_404 : i32
      %sign3A_406 = arith.extui %sign3A_405 : i1 to i32
      %sign3A_407 = arith.constant 0 : i32
      %sign3A_408 = arith.cmpi slt, %jit3A_395, %sign3A_407 : i32
      %sign3A_409 = arith.extui %sign3A_408 : i1 to i32
      %sign3A_410 = arith.subi %sign3A_406, %sign3A_409 : i32
      %ne3A_411 = arith.cmpi ne, %sign3A_403, %sign3A_410 : i32
      %rem3A_412 = arith.remsi %add3A_394, %jit3A_395 : i32
      %ne3A_413 = arith.constant 0 : i32
      %ne3A_414 = arith.cmpi ne, %rem3A_412, %ne3A_413 : i32
      %and3A_415 = arith.andi %ne3A_411, %ne3A_414 : i1
      %sub3A_416 = arith.constant 1 : i32
      %sub3A_417 = arith.subi %div3A_396, %sub3A_416 : i32
      %select_n3A_418 = arith.select %and3A_415, %sub3A_417, %div3A_396 : i32
      %add3A_419 = arith.constant 0 : i32
      %add3A_420 = arith.addi %select_n3A_418, %add3A_419 : i32
      %dma_start3A_421 = arith.constant 0 : i32
      %dma_start3A_422 = arith.constant 0 : i32
      %dma_start3A_423 = tpu.memref_slice %arg11[%dma_start3A_421, %dma_start3A_422] : memref<400x64xf32, #tpu.memory_space<vmem>> -> memref<200x64xf32, #tpu.memory_space<vmem>>
      %dma_start3A_424 = arith.constant 0 : i32
      %dma_start3A_425 = arith.constant 0 : i32
      %dma_start3A_426 = tpu.memref_slice %arg4[%add3A_420, %dma_start3A_424, %dma_start3A_425] : memref<4096x200x64xf32, #tpu.memory_space<hbm>> -> memref<1x200x64xf32, #tpu.memory_space<hbm>>
      %dma_start3A_427 = tpu.memref_squeeze %dma_start3A_426 : memref<1x200x64xf32, #tpu.memory_space<hbm>> -> memref<200x64xf32, #tpu.memory_space<hbm>>
      %dma_start3A_428 = arith.constant 0 : i32
      %dma_start3A_429 = arith.constant 0 : i32
      %dma_start3A_430 = tpu.memref_slice %arg4[%add3A_420, %dma_start3A_428, %dma_start3A_429] : memref<4096x200x64xf32, #tpu.memory_space<hbm>> -> memref<1x200x64xf32, #tpu.memory_space<hbm>>
      %dma_start3A_431 = tpu.memref_squeeze %dma_start3A_430 : memref<1x200x64xf32, #tpu.memory_space<hbm>> -> memref<200x64xf32, #tpu.memory_space<hbm>>
      %dma_start3A_432 = arith.constant 0 : i32
      %dma_start3A_433 = arith.constant 0 : i32
      %dma_start3A_434 = tpu.memref_slice %arg11[%dma_start3A_432, %dma_start3A_433] : memref<400x64xf32, #tpu.memory_space<vmem>> -> memref<200x64xf32, #tpu.memory_space<vmem>>
      tpu.enqueue_dma source(%dma_start3A_434 : memref<200x64xf32, #tpu.memory_space<vmem>>) target(%dma_start3A_431 : memref<200x64xf32, #tpu.memory_space<hbm>>) target_semaphore(%arg19 : memref<!tpu.dma_semaphore, #tpu.memory_space<semaphore_mem>>)
      %add3A_435 = arith.constant 1 : i32
      %add3A_436 = arith.addi %select_n3A_418, %add3A_435 : i32
      %dma_start3A_437 = arith.constant 200 : i32
      %dma_start3A_438 = arith.constant 0 : i32
      %dma_start3A_439 = tpu.memref_slice %arg11[%dma_start3A_437, %dma_start3A_438] : memref<400x64xf32, #tpu.memory_space<vmem>> -> memref<200x64xf32, #tpu.memory_space<vmem>>
      %dma_start3A_440 = arith.constant 0 : i32
      %dma_start3A_441 = arith.constant 0 : i32
      %dma_start3A_442 = tpu.memref_slice %arg4[%add3A_436, %dma_start3A_440, %dma_start3A_441] : memref<4096x200x64xf32, #tpu.memory_space<hbm>> -> memref<1x200x64xf32, #tpu.memory_space<hbm>>
      %dma_start3A_443 = tpu.memref_squeeze %dma_start3A_442 : memref<1x200x64xf32, #tpu.memory_space<hbm>> -> memref<200x64xf32, #tpu.memory_space<hbm>>
      %dma_start3A_444 = arith.constant 0 : i32
      %dma_start3A_445 = arith.constant 0 : i32
      %dma_start3A_446 = tpu.memref_slice %arg4[%add3A_436, %dma_start3A_444, %dma_start3A_445] : memref<4096x200x64xf32, #tpu.memory_space<hbm>> -> memref<1x200x64xf32, #tpu.memory_space<hbm>>
      %dma_start3A_447 = tpu.memref_squeeze %dma_start3A_446 : memref<1x200x64xf32, #tpu.memory_space<hbm>> -> memref<200x64xf32, #tpu.memory_space<hbm>>
      %dma_start3A_448 = arith.constant 200 : i32
      %dma_start3A_449 = arith.constant 0 : i32
      %dma_start3A_450 = tpu.memref_slice %arg11[%dma_start3A_448, %dma_start3A_449] : memref<400x64xf32, #tpu.memory_space<vmem>> -> memref<200x64xf32, #tpu.memory_space<vmem>>
      tpu.enqueue_dma source(%dma_start3A_450 : memref<200x64xf32, #tpu.memory_space<vmem>>) target(%dma_start3A_447 : memref<200x64xf32, #tpu.memory_space<hbm>>) target_semaphore(%arg19 : memref<!tpu.dma_semaphore, #tpu.memory_space<semaphore_mem>>)
      %sub3A_451 = arith.constant 4 : i32
      %sub3A_452 = arith.subi %add3A_386, %sub3A_451 : i32
      %dma_wait3A_453 = arith.constant 0 : i32
      %dma_wait3A_454 = arith.constant 0 : i32
      %dma_wait3A_455 = arith.constant 0 : i32
      %dma_wait3A_456 = tpu.memref_slice %arg9[%dma_wait3A_454, %dma_wait3A_455] : memref<400x64xf32, #tpu.memory_space<vmem>> -> memref<200x64xf32, #tpu.memory_space<vmem>>
      %dma_wait3A_457 = arith.constant 0 : i32
      %dma_wait3A_458 = arith.constant 0 : i32
      %dma_wait3A_459 = tpu.memref_slice %arg4[%dma_wait3A_453, %dma_wait3A_457, %dma_wait3A_458] : memref<4096x200x64xf32, #tpu.memory_space<hbm>> -> memref<1x200x64xf32, #tpu.memory_space<hbm>>
      %dma_wait3A_460 = tpu.memref_squeeze %dma_wait3A_459 : memref<1x200x64xf32, #tpu.memory_space<hbm>> -> memref<200x64xf32, #tpu.memory_space<hbm>>
      %dma_wait3A_461 = arith.constant 0 : i32
      %dma_wait3A_462 = arith.constant 0 : i32
      %dma_wait3A_463 = tpu.memref_slice %arg4[%dma_wait3A_453, %dma_wait3A_461, %dma_wait3A_462] : memref<4096x200x64xf32, #tpu.memory_space<hbm>> -> memref<1x200x64xf32, #tpu.memory_space<hbm>>
      %dma_wait3A_464 = tpu.memref_squeeze %dma_wait3A_463 : memref<1x200x64xf32, #tpu.memory_space<hbm>> -> memref<200x64xf32, #tpu.memory_space<hbm>>
      %dma_wait3A_465 = arith.constant 0 : i32
      %dma_wait3A_466 = arith.constant 0 : i32
      %dma_wait3A_467 = tpu.memref_slice %arg9[%dma_wait3A_465, %dma_wait3A_466] : memref<400x64xf32, #tpu.memory_space<vmem>> -> memref<200x64xf32, #tpu.memory_space<vmem>>
      tpu.wait_dma2 semaphore(%arg17 : memref<!tpu.dma_semaphore, #tpu.memory_space<semaphore_mem>>) src(%dma_wait3A_467 : memref<200x64xf32, #tpu.memory_space<vmem>>) dst(%dma_wait3A_464 : memref<200x64xf32, #tpu.memory_space<hbm>>)
      %dma_wait3A_468 = arith.constant 0 : i32
      %dma_wait3A_469 = arith.constant 200 : i32
      %dma_wait3A_470 = arith.constant 0 : i32
      %dma_wait3A_471 = tpu.memref_slice %arg9[%dma_wait3A_469, %dma_wait3A_470] : memref<400x64xf32, #tpu.memory_space<vmem>> -> memref<200x64xf32, #tpu.memory_space<vmem>>
      %dma_wait3A_472 = arith.constant 0 : i32
      %dma_wait3A_473 = arith.constant 0 : i32
      %dma_wait3A_474 = tpu.memref_slice %arg4[%dma_wait3A_468, %dma_wait3A_472, %dma_wait3A_473] : memref<4096x200x64xf32, #tpu.memory_space<hbm>> -> memref<1x200x64xf32, #tpu.memory_space<hbm>>
      %dma_wait3A_475 = tpu.memref_squeeze %dma_wait3A_474 : memref<1x200x64xf32, #tpu.memory_space<hbm>> -> memref<200x64xf32, #tpu.memory_space<hbm>>
      %dma_wait3A_476 = arith.constant 0 : i32
      %dma_wait3A_477 = arith.constant 0 : i32
      %dma_wait3A_478 = tpu.memref_slice %arg4[%dma_wait3A_468, %dma_wait3A_476, %dma_wait3A_477] : memref<4096x200x64xf32, #tpu.memory_space<hbm>> -> memref<1x200x64xf32, #tpu.memory_space<hbm>>
      %dma_wait3A_479 = tpu.memref_squeeze %dma_wait3A_478 : memref<1x200x64xf32, #tpu.memory_space<hbm>> -> memref<200x64xf32, #tpu.memory_space<hbm>>
      %dma_wait3A_480 = arith.constant 200 : i32
      %dma_wait3A_481 = arith.constant 0 : i32
      %dma_wait3A_482 = tpu.memref_slice %arg9[%dma_wait3A_480, %dma_wait3A_481] : memref<400x64xf32, #tpu.memory_space<vmem>> -> memref<200x64xf32, #tpu.memory_space<vmem>>
      tpu.wait_dma2 semaphore(%arg17 : memref<!tpu.dma_semaphore, #tpu.memory_space<semaphore_mem>>) src(%dma_wait3A_482 : memref<200x64xf32, #tpu.memory_space<vmem>>) dst(%dma_wait3A_479 : memref<200x64xf32, #tpu.memory_space<hbm>>)
      %mul3A_483 = arith.constant 400 : i32
      %mul3A_484 = arith.muli %add3A_386, %mul3A_483 : i32
      %add3A_485 = arith.addi %mul3A_2, %mul3A_484 : i32
      "tpu.region"() ({
        %run_scoped3A = tpu.sem_alloc : memref<!tpu.dma_semaphore, #tpu.memory_space<semaphore_mem>>
        %dma_start3A_807 = tpu.memref_slice %arg3[%add3A_485] : memref<819200xi32, #tpu.memory_space<hbm>> -> memref<400xi32, #tpu.memory_space<hbm>>
        %dma_start3A_808 = tpu.memref_slice %arg3[%add3A_485] : memref<819200xi32, #tpu.memory_space<hbm>> -> memref<400xi32, #tpu.memory_space<hbm>>
        tpu.enqueue_dma source(%dma_start3A_808 : memref<400xi32, #tpu.memory_space<hbm>>) target(%arg5 : memref<400xi32, #tpu.memory_space<vmem>>) target_semaphore(%run_scoped3A : memref<!tpu.dma_semaphore, #tpu.memory_space<semaphore_mem>>)
        %dma_wait3A_809 = tpu.memref_slice %arg3[%add3A_485] : memref<819200xi32, #tpu.memory_space<hbm>> -> memref<400xi32, #tpu.memory_space<hbm>>
        %dma_wait3A_810 = tpu.memref_slice %arg3[%add3A_485] : memref<819200xi32, #tpu.memory_space<hbm>> -> memref<400xi32, #tpu.memory_space<hbm>>
        tpu.wait_dma2 semaphore(%run_scoped3A : memref<!tpu.dma_semaphore, #tpu.memory_space<semaphore_mem>>) src(%dma_wait3A_810 : memref<400xi32, #tpu.memory_space<hbm>>) dst(%arg5 : memref<400xi32, #tpu.memory_space<vmem>>)
        tpu.yield
      }) : () -> ()
      %dma_start3A_486 = arith.constant 0 : i32
      %dma_start3A_487 = arith.constant 0 : i32
      %dma_start3A_488 = tpu.memref_slice %arg2[%dma_start3A_486, %dma_start3A_487] : memref<1000000x64xf32, #tpu.memory_space<hbm>> -> memref<1000000x64xf32, #tpu.memory_space<hbm>>
      tpu.enqueue_indirect_dma source(%dma_start3A_488 : memref<1000000x64xf32, #tpu.memory_space<hbm>>) target(%arg9 : memref<400x64xf32, #tpu.memory_space<vmem>>) offsets(%arg5 : memref<400xi32, #tpu.memory_space<vmem>>) semaphore(%arg13 : memref<!tpu.dma_semaphore, #tpu.memory_space<semaphore_mem>>)
      %mul3A_489 = arith.constant 4 : i32
      %mul3A_490 = arith.muli %scan3A_382, %mul3A_489 : i32
      %add3A_491 = arith.constant 1 : i32
      %add3A_492 = arith.addi %mul3A_490, %add3A_491 : i32
      %sub3A_493 = arith.constant 2 : i32
      %sub3A_494 = arith.subi %add3A_492, %sub3A_493 : i32
      %dma_wait3A_495 = arith.constant 0 : i32
      %dma_wait3A_496 = arith.constant 0 : i32
      %dma_wait3A_497 = tpu.memref_slice %arg2[%dma_wait3A_495, %dma_wait3A_496] : memref<1000000x64xf32, #tpu.memory_space<hbm>> -> memref<1000000x64xf32, #tpu.memory_space<hbm>>
      tpu.wait_indirect_dma semaphore(%arg16 : memref<!tpu.dma_semaphore, #tpu.memory_space<semaphore_mem>>) src(%dma_wait3A_497 : memref<1000000x64xf32, #tpu.memory_space<hbm>>) dst(%arg12 : memref<400x64xf32, #tpu.memory_space<vmem>>)
      %mul3A_498 = arith.constant 400 : i32
      %mul3A_499 = arith.muli %sub3A_494, %mul3A_498 : i32
      %add3A_500 = arith.addi %mul3A_2, %mul3A_499 : i32
      %jit3A_501 = arith.constant 200 : i32
      %div3A_502 = arith.divsi %add3A_500, %jit3A_501 : i32
      %sign3A_503 = arith.constant 0 : i32
      %sign3A_504 = arith.cmpi sgt, %add3A_500, %sign3A_503 : i32
      %sign3A_505 = arith.extui %sign3A_504 : i1 to i32
      %sign3A_506 = arith.constant 0 : i32
      %sign3A_507 = arith.cmpi slt, %add3A_500, %sign3A_506 : i32
      %sign3A_508 = arith.extui %sign3A_507 : i1 to i32
      %sign3A_509 = arith.subi %sign3A_505, %sign3A_508 : i32
      %sign3A_510 = arith.constant 0 : i32
      %sign3A_511 = arith.cmpi sgt, %jit3A_501, %sign3A_510 : i32
      %sign3A_512 = arith.extui %sign3A_511 : i1 to i32
      %sign3A_513 = arith.constant 0 : i32
      %sign3A_514 = arith.cmpi slt, %jit3A_501, %sign3A_513 : i32
      %sign3A_515 = arith.extui %sign3A_514 : i1 to i32
      %sign3A_516 = arith.subi %sign3A_512, %sign3A_515 : i32
      %ne3A_517 = arith.cmpi ne, %sign3A_509, %sign3A_516 : i32
      %rem3A_518 = arith.remsi %add3A_500, %jit3A_501 : i32
      %ne3A_519 = arith.constant 0 : i32
      %ne3A_520 = arith.cmpi ne, %rem3A_518, %ne3A_519 : i32
      %and3A_521 = arith.andi %ne3A_517, %ne3A_520 : i1
      %sub3A_522 = arith.constant 1 : i32
      %sub3A_523 = arith.subi %div3A_502, %sub3A_522 : i32
      %select_n3A_524 = arith.select %and3A_521, %sub3A_523, %div3A_502 : i32
      %add3A_525 = arith.constant 0 : i32
      %add3A_526 = arith.addi %select_n3A_524, %add3A_525 : i32
      %dma_start3A_527 = arith.constant 0 : i32
      %dma_start3A_528 = arith.constant 0 : i32
      %dma_start3A_529 = tpu.memref_slice %arg12[%dma_start3A_527, %dma_start3A_528] : memref<400x64xf32, #tpu.memory_space<vmem>> -> memref<200x64xf32, #tpu.memory_space<vmem>>
      %dma_start3A_530 = arith.constant 0 : i32
      %dma_start3A_531 = arith.constant 0 : i32
      %dma_start3A_532 = tpu.memref_slice %arg4[%add3A_526, %dma_start3A_530, %dma_start3A_531] : memref<4096x200x64xf32, #tpu.memory_space<hbm>> -> memref<1x200x64xf32, #tpu.memory_space<hbm>>
      %dma_start3A_533 = tpu.memref_squeeze %dma_start3A_532 : memref<1x200x64xf32, #tpu.memory_space<hbm>> -> memref<200x64xf32, #tpu.memory_space<hbm>>
      %dma_start3A_534 = arith.constant 0 : i32
      %dma_start3A_535 = arith.constant 0 : i32
      %dma_start3A_536 = tpu.memref_slice %arg4[%add3A_526, %dma_start3A_534, %dma_start3A_535] : memref<4096x200x64xf32, #tpu.memory_space<hbm>> -> memref<1x200x64xf32, #tpu.memory_space<hbm>>
      %dma_start3A_537 = tpu.memref_squeeze %dma_start3A_536 : memref<1x200x64xf32, #tpu.memory_space<hbm>> -> memref<200x64xf32, #tpu.memory_space<hbm>>
      %dma_start3A_538 = arith.constant 0 : i32
      %dma_start3A_539 = arith.constant 0 : i32
      %dma_start3A_540 = tpu.memref_slice %arg12[%dma_start3A_538, %dma_start3A_539] : memref<400x64xf32, #tpu.memory_space<vmem>> -> memref<200x64xf32, #tpu.memory_space<vmem>>
      tpu.enqueue_dma source(%dma_start3A_540 : memref<200x64xf32, #tpu.memory_space<vmem>>) target(%dma_start3A_537 : memref<200x64xf32, #tpu.memory_space<hbm>>) target_semaphore(%arg20 : memref<!tpu.dma_semaphore, #tpu.memory_space<semaphore_mem>>)
      %add3A_541 = arith.constant 1 : i32
      %add3A_542 = arith.addi %select_n3A_524, %add3A_541 : i32
      %dma_start3A_543 = arith.constant 200 : i32
      %dma_start3A_544 = arith.constant 0 : i32
      %dma_start3A_545 = tpu.memref_slice %arg12[%dma_start3A_543, %dma_start3A_544] : memref<400x64xf32, #tpu.memory_space<vmem>> -> memref<200x64xf32, #tpu.memory_space<vmem>>
      %dma_start3A_546 = arith.constant 0 : i32
      %dma_start3A_547 = arith.constant 0 : i32
      %dma_start3A_548 = tpu.memref_slice %arg4[%add3A_542, %dma_start3A_546, %dma_start3A_547] : memref<4096x200x64xf32, #tpu.memory_space<hbm>> -> memref<1x200x64xf32, #tpu.memory_space<hbm>>
      %dma_start3A_549 = tpu.memref_squeeze %dma_start3A_548 : memref<1x200x64xf32, #tpu.memory_space<hbm>> -> memref<200x64xf32, #tpu.memory_space<hbm>>
      %dma_start3A_550 = arith.constant 0 : i32
      %dma_start3A_551 = arith.constant 0 : i32
      %dma_start3A_552 = tpu.memref_slice %arg4[%add3A_542, %dma_start3A_550, %dma_start3A_551] : memref<4096x200x64xf32, #tpu.memory_space<hbm>> -> memref<1x200x64xf32, #tpu.memory_space<hbm>>
      %dma_start3A_553 = tpu.memref_squeeze %dma_start3A_552 : memref<1x200x64xf32, #tpu.memory_space<hbm>> -> memref<200x64xf32, #tpu.memory_space<hbm>>
      %dma_start3A_554 = arith.constant 200 : i32
      %dma_start3A_555 = arith.constant 0 : i32
      %dma_start3A_556 = tpu.memref_slice %arg12[%dma_start3A_554, %dma_start3A_555] : memref<400x64xf32, #tpu.memory_space<vmem>> -> memref<200x64xf32, #tpu.memory_space<vmem>>
      tpu.enqueue_dma source(%dma_start3A_556 : memref<200x64xf32, #tpu.memory_space<vmem>>) target(%dma_start3A_553 : memref<200x64xf32, #tpu.memory_space<hbm>>) target_semaphore(%arg20 : memref<!tpu.dma_semaphore, #tpu.memory_space<semaphore_mem>>)
      %sub3A_557 = arith.constant 4 : i32
      %sub3A_558 = arith.subi %add3A_492, %sub3A_557 : i32
      %dma_wait3A_559 = arith.constant 0 : i32
      %dma_wait3A_560 = arith.constant 0 : i32
      %dma_wait3A_561 = arith.constant 0 : i32
      %dma_wait3A_562 = tpu.memref_slice %arg10[%dma_wait3A_560, %dma_wait3A_561] : memref<400x64xf32, #tpu.memory_space<vmem>> -> memref<200x64xf32, #tpu.memory_space<vmem>>
      %dma_wait3A_563 = arith.constant 0 : i32
      %dma_wait3A_564 = arith.constant 0 : i32
      %dma_wait3A_565 = tpu.memref_slice %arg4[%dma_wait3A_559, %dma_wait3A_563, %dma_wait3A_564] : memref<4096x200x64xf32, #tpu.memory_space<hbm>> -> memref<1x200x64xf32, #tpu.memory_space<hbm>>
      %dma_wait3A_566 = tpu.memref_squeeze %dma_wait3A_565 : memref<1x200x64xf32, #tpu.memory_space<hbm>> -> memref<200x64xf32, #tpu.memory_space<hbm>>
      %dma_wait3A_567 = arith.constant 0 : i32
      %dma_wait3A_568 = arith.constant 0 : i32
      %dma_wait3A_569 = tpu.memref_slice %arg4[%dma_wait3A_559, %dma_wait3A_567, %dma_wait3A_568] : memref<4096x200x64xf32, #tpu.memory_space<hbm>> -> memref<1x200x64xf32, #tpu.memory_space<hbm>>
      %dma_wait3A_570 = tpu.memref_squeeze %dma_wait3A_569 : memref<1x200x64xf32, #tpu.memory_space<hbm>> -> memref<200x64xf32, #tpu.memory_space<hbm>>
      %dma_wait3A_571 = arith.constant 0 : i32
      %dma_wait3A_572 = arith.constant 0 : i32
      %dma_wait3A_573 = tpu.memref_slice %arg10[%dma_wait3A_571, %dma_wait3A_572] : memref<400x64xf32, #tpu.memory_space<vmem>> -> memref<200x64xf32, #tpu.memory_space<vmem>>
      tpu.wait_dma2 semaphore(%arg18 : memref<!tpu.dma_semaphore, #tpu.memory_space<semaphore_mem>>) src(%dma_wait3A_573 : memref<200x64xf32, #tpu.memory_space<vmem>>) dst(%dma_wait3A_570 : memref<200x64xf32, #tpu.memory_space<hbm>>)
      %dma_wait3A_574 = arith.constant 0 : i32
      %dma_wait3A_575 = arith.constant 200 : i32
      %dma_wait3A_576 = arith.constant 0 : i32
      %dma_wait3A_577 = tpu.memref_slice %arg10[%dma_wait3A_575, %dma_wait3A_576] : memref<400x64xf32, #tpu.memory_space<vmem>> -> memref<200x64xf32, #tpu.memory_space<vmem>>
      %dma_wait3A_578 = arith.constant 0 : i32
      %dma_wait3A_579 = arith.constant 0 : i32
      %dma_wait3A_580 = tpu.memref_slice %arg4[%dma_wait3A_574, %dma_wait3A_578, %dma_wait3A_579] : memref<4096x200x64xf32, #tpu.memory_space<hbm>> -> memref<1x200x64xf32, #tpu.memory_space<hbm>>
      %dma_wait3A_581 = tpu.memref_squeeze %dma_wait3A_580 : memref<1x200x64xf32, #tpu.memory_space<hbm>> -> memref<200x64xf32, #tpu.memory_space<hbm>>
      %dma_wait3A_582 = arith.constant 0 : i32
      %dma_wait3A_583 = arith.constant 0 : i32
      %dma_wait3A_584 = tpu.memref_slice %arg4[%dma_wait3A_574, %dma_wait3A_582, %dma_wait3A_583] : memref<4096x200x64xf32, #tpu.memory_space<hbm>> -> memref<1x200x64xf32, #tpu.memory_space<hbm>>
      %dma_wait3A_585 = tpu.memref_squeeze %dma_wait3A_584 : memref<1x200x64xf32, #tpu.memory_space<hbm>> -> memref<200x64xf32, #tpu.memory_space<hbm>>
      %dma_wait3A_586 = arith.constant 200 : i32
      %dma_wait3A_587 = arith.constant 0 : i32
      %dma_wait3A_588 = tpu.memref_slice %arg10[%dma_wait3A_586, %dma_wait3A_587] : memref<400x64xf32, #tpu.memory_space<vmem>> -> memref<200x64xf32, #tpu.memory_space<vmem>>
      tpu.wait_dma2 semaphore(%arg18 : memref<!tpu.dma_semaphore, #tpu.memory_space<semaphore_mem>>) src(%dma_wait3A_588 : memref<200x64xf32, #tpu.memory_space<vmem>>) dst(%dma_wait3A_585 : memref<200x64xf32, #tpu.memory_space<hbm>>)
      %mul3A_589 = arith.constant 400 : i32
      %mul3A_590 = arith.muli %add3A_492, %mul3A_589 : i32
      %add3A_591 = arith.addi %mul3A_2, %mul3A_590 : i32
      "tpu.region"() ({
        %run_scoped3A = tpu.sem_alloc : memref<!tpu.dma_semaphore, #tpu.memory_space<semaphore_mem>>
        %dma_start3A_807 = tpu.memref_slice %arg3[%add3A_591] : memref<819200xi32, #tpu.memory_space<hbm>> -> memref<400xi32, #tpu.memory_space<hbm>>
        %dma_start3A_808 = tpu.memref_slice %arg3[%add3A_591] : memref<819200xi32, #tpu.memory_space<hbm>> -> memref<400xi32, #tpu.memory_space<hbm>>
        tpu.enqueue_dma source(%dma_start3A_808 : memref<400xi32, #tpu.memory_space<hbm>>) target(%arg6 : memref<400xi32, #tpu.memory_space<vmem>>) target_semaphore(%run_scoped3A : memref<!tpu.dma_semaphore, #tpu.memory_space<semaphore_mem>>)
        %dma_wait3A_809 = tpu.memref_slice %arg3[%add3A_591] : memref<819200xi32, #tpu.memory_space<hbm>> -> memref<400xi32, #tpu.memory_space<hbm>>
        %dma_wait3A_810 = tpu.memref_slice %arg3[%add3A_591] : memref<819200xi32, #tpu.memory_space<hbm>> -> memref<400xi32, #tpu.memory_space<hbm>>
        tpu.wait_dma2 semaphore(%run_scoped3A : memref<!tpu.dma_semaphore, #tpu.memory_space<semaphore_mem>>) src(%dma_wait3A_810 : memref<400xi32, #tpu.memory_space<hbm>>) dst(%arg6 : memref<400xi32, #tpu.memory_space<vmem>>)
        tpu.yield
      }) : () -> ()
      %dma_start3A_592 = arith.constant 0 : i32
      %dma_start3A_593 = arith.constant 0 : i32
      %dma_start3A_594 = tpu.memref_slice %arg2[%dma_start3A_592, %dma_start3A_593] : memref<1000000x64xf32, #tpu.memory_space<hbm>> -> memref<1000000x64xf32, #tpu.memory_space<hbm>>
      tpu.enqueue_indirect_dma source(%dma_start3A_594 : memref<1000000x64xf32, #tpu.memory_space<hbm>>) target(%arg10 : memref<400x64xf32, #tpu.memory_space<vmem>>) offsets(%arg6 : memref<400xi32, #tpu.memory_space<vmem>>) semaphore(%arg14 : memref<!tpu.dma_semaphore, #tpu.memory_space<semaphore_mem>>)
      %mul3A_595 = arith.constant 4 : i32
      %mul3A_596 = arith.muli %scan3A_382, %mul3A_595 : i32
      %add3A_597 = arith.constant 2 : i32
      %add3A_598 = arith.addi %mul3A_596, %add3A_597 : i32
      %sub3A_599 = arith.constant 2 : i32
      %sub3A_600 = arith.subi %add3A_598, %sub3A_599 : i32
      %dma_wait3A_601 = arith.constant 0 : i32
      %dma_wait3A_602 = arith.constant 0 : i32
      %dma_wait3A_603 = tpu.memref_slice %arg2[%dma_wait3A_601, %dma_wait3A_602] : memref<1000000x64xf32, #tpu.memory_space<hbm>> -> memref<1000000x64xf32, #tpu.memory_space<hbm>>
      tpu.wait_indirect_dma semaphore(%arg13 : memref<!tpu.dma_semaphore, #tpu.memory_space<semaphore_mem>>) src(%dma_wait3A_603 : memref<1000000x64xf32, #tpu.memory_space<hbm>>) dst(%arg9 : memref<400x64xf32, #tpu.memory_space<vmem>>)
      %mul3A_604 = arith.constant 400 : i32
      %mul3A_605 = arith.muli %sub3A_600, %mul3A_604 : i32
      %add3A_606 = arith.addi %mul3A_2, %mul3A_605 : i32
      %jit3A_607 = arith.constant 200 : i32
      %div3A_608 = arith.divsi %add3A_606, %jit3A_607 : i32
      %sign3A_609 = arith.constant 0 : i32
      %sign3A_610 = arith.cmpi sgt, %add3A_606, %sign3A_609 : i32
      %sign3A_611 = arith.extui %sign3A_610 : i1 to i32
      %sign3A_612 = arith.constant 0 : i32
      %sign3A_613 = arith.cmpi slt, %add3A_606, %sign3A_612 : i32
      %sign3A_614 = arith.extui %sign3A_613 : i1 to i32
      %sign3A_615 = arith.subi %sign3A_611, %sign3A_614 : i32
      %sign3A_616 = arith.constant 0 : i32
      %sign3A_617 = arith.cmpi sgt, %jit3A_607, %sign3A_616 : i32
      %sign3A_618 = arith.extui %sign3A_617 : i1 to i32
      %sign3A_619 = arith.constant 0 : i32
      %sign3A_620 = arith.cmpi slt, %jit3A_607, %sign3A_619 : i32
      %sign3A_621 = arith.extui %sign3A_620 : i1 to i32
      %sign3A_622 = arith.subi %sign3A_618, %sign3A_621 : i32
      %ne3A_623 = arith.cmpi ne, %sign3A_615, %sign3A_622 : i32
      %rem3A_624 = arith.remsi %add3A_606, %jit3A_607 : i32
      %ne3A_625 = arith.constant 0 : i32
      %ne3A_626 = arith.cmpi ne, %rem3A_624, %ne3A_625 : i32
      %and3A_627 = arith.andi %ne3A_623, %ne3A_626 : i1
      %sub3A_628 = arith.constant 1 : i32
      %sub3A_629 = arith.subi %div3A_608, %sub3A_628 : i32
      %select_n3A_630 = arith.select %and3A_627, %sub3A_629, %div3A_608 : i32
      %add3A_631 = arith.constant 0 : i32
      %add3A_632 = arith.addi %select_n3A_630, %add3A_631 : i32
      %dma_start3A_633 = arith.constant 0 : i32
      %dma_start3A_634 = arith.constant 0 : i32
      %dma_start3A_635 = tpu.memref_slice %arg9[%dma_start3A_633, %dma_start3A_634] : memref<400x64xf32, #tpu.memory_space<vmem>> -> memref<200x64xf32, #tpu.memory_space<vmem>>
      %dma_start3A_636 = arith.constant 0 : i32
      %dma_start3A_637 = arith.constant 0 : i32
      %dma_start3A_638 = tpu.memref_slice %arg4[%add3A_632, %dma_start3A_636, %dma_start3A_637] : memref<4096x200x64xf32, #tpu.memory_space<hbm>> -> memref<1x200x64xf32, #tpu.memory_space<hbm>>
      %dma_start3A_639 = tpu.memref_squeeze %dma_start3A_638 : memref<1x200x64xf32, #tpu.memory_space<hbm>> -> memref<200x64xf32, #tpu.memory_space<hbm>>
      %dma_start3A_640 = arith.constant 0 : i32
      %dma_start3A_641 = arith.constant 0 : i32
      %dma_start3A_642 = tpu.memref_slice %arg4[%add3A_632, %dma_start3A_640, %dma_start3A_641] : memref<4096x200x64xf32, #tpu.memory_space<hbm>> -> memref<1x200x64xf32, #tpu.memory_space<hbm>>
      %dma_start3A_643 = tpu.memref_squeeze %dma_start3A_642 : memref<1x200x64xf32, #tpu.memory_space<hbm>> -> memref<200x64xf32, #tpu.memory_space<hbm>>
      %dma_start3A_644 = arith.constant 0 : i32
      %dma_start3A_645 = arith.constant 0 : i32
      %dma_start3A_646 = tpu.memref_slice %arg9[%dma_start3A_644, %dma_start3A_645] : memref<400x64xf32, #tpu.memory_space<vmem>> -> memref<200x64xf32, #tpu.memory_space<vmem>>
      tpu.enqueue_dma source(%dma_start3A_646 : memref<200x64xf32, #tpu.memory_space<vmem>>) target(%dma_start3A_643 : memref<200x64xf32, #tpu.memory_space<hbm>>) target_semaphore(%arg17 : memref<!tpu.dma_semaphore, #tpu.memory_space<semaphore_mem>>)
      %add3A_647 = arith.constant 1 : i32
      %add3A_648 = arith.addi %select_n3A_630, %add3A_647 : i32
      %dma_start3A_649 = arith.constant 200 : i32
      %dma_start3A_650 = arith.constant 0 : i32
      %dma_start3A_651 = tpu.memref_slice %arg9[%dma_start3A_649, %dma_start3A_650] : memref<400x64xf32, #tpu.memory_space<vmem>> -> memref<200x64xf32, #tpu.memory_space<vmem>>
      %dma_start3A_652 = arith.constant 0 : i32
      %dma_start3A_653 = arith.constant 0 : i32
      %dma_start3A_654 = tpu.memref_slice %arg4[%add3A_648, %dma_start3A_652, %dma_start3A_653] : memref<4096x200x64xf32, #tpu.memory_space<hbm>> -> memref<1x200x64xf32, #tpu.memory_space<hbm>>
      %dma_start3A_655 = tpu.memref_squeeze %dma_start3A_654 : memref<1x200x64xf32, #tpu.memory_space<hbm>> -> memref<200x64xf32, #tpu.memory_space<hbm>>
      %dma_start3A_656 = arith.constant 0 : i32
      %dma_start3A_657 = arith.constant 0 : i32
      %dma_start3A_658 = tpu.memref_slice %arg4[%add3A_648, %dma_start3A_656, %dma_start3A_657] : memref<4096x200x64xf32, #tpu.memory_space<hbm>> -> memref<1x200x64xf32, #tpu.memory_space<hbm>>
      %dma_start3A_659 = tpu.memref_squeeze %dma_start3A_658 : memref<1x200x64xf32, #tpu.memory_space<hbm>> -> memref<200x64xf32, #tpu.memory_space<hbm>>
      %dma_start3A_660 = arith.constant 200 : i32
      %dma_start3A_661 = arith.constant 0 : i32
      %dma_start3A_662 = tpu.memref_slice %arg9[%dma_start3A_660, %dma_start3A_661] : memref<400x64xf32, #tpu.memory_space<vmem>> -> memref<200x64xf32, #tpu.memory_space<vmem>>
      tpu.enqueue_dma source(%dma_start3A_662 : memref<200x64xf32, #tpu.memory_space<vmem>>) target(%dma_start3A_659 : memref<200x64xf32, #tpu.memory_space<hbm>>) target_semaphore(%arg17 : memref<!tpu.dma_semaphore, #tpu.memory_space<semaphore_mem>>)
      %sub3A_663 = arith.constant 4 : i32
      %sub3A_664 = arith.subi %add3A_598, %sub3A_663 : i32
      %dma_wait3A_665 = arith.constant 0 : i32
      %dma_wait3A_666 = arith.constant 0 : i32
      %dma_wait3A_667 = arith.constant 0 : i32
      %dma_wait3A_668 = tpu.memref_slice %arg11[%dma_wait3A_666, %dma_wait3A_667] : memref<400x64xf32, #tpu.memory_space<vmem>> -> memref<200x64xf32, #tpu.memory_space<vmem>>
      %dma_wait3A_669 = arith.constant 0 : i32
      %dma_wait3A_670 = arith.constant 0 : i32
      %dma_wait3A_671 = tpu.memref_slice %arg4[%dma_wait3A_665, %dma_wait3A_669, %dma_wait3A_670] : memref<4096x200x64xf32, #tpu.memory_space<hbm>> -> memref<1x200x64xf32, #tpu.memory_space<hbm>>
      %dma_wait3A_672 = tpu.memref_squeeze %dma_wait3A_671 : memref<1x200x64xf32, #tpu.memory_space<hbm>> -> memref<200x64xf32, #tpu.memory_space<hbm>>
      %dma_wait3A_673 = arith.constant 0 : i32
      %dma_wait3A_674 = arith.constant 0 : i32
      %dma_wait3A_675 = tpu.memref_slice %arg4[%dma_wait3A_665, %dma_wait3A_673, %dma_wait3A_674] : memref<4096x200x64xf32, #tpu.memory_space<hbm>> -> memref<1x200x64xf32, #tpu.memory_space<hbm>>
      %dma_wait3A_676 = tpu.memref_squeeze %dma_wait3A_675 : memref<1x200x64xf32, #tpu.memory_space<hbm>> -> memref<200x64xf32, #tpu.memory_space<hbm>>
      %dma_wait3A_677 = arith.constant 0 : i32
      %dma_wait3A_678 = arith.constant 0 : i32
      %dma_wait3A_679 = tpu.memref_slice %arg11[%dma_wait3A_677, %dma_wait3A_678] : memref<400x64xf32, #tpu.memory_space<vmem>> -> memref<200x64xf32, #tpu.memory_space<vmem>>
      tpu.wait_dma2 semaphore(%arg19 : memref<!tpu.dma_semaphore, #tpu.memory_space<semaphore_mem>>) src(%dma_wait3A_679 : memref<200x64xf32, #tpu.memory_space<vmem>>) dst(%dma_wait3A_676 : memref<200x64xf32, #tpu.memory_space<hbm>>)
      %dma_wait3A_680 = arith.constant 0 : i32
      %dma_wait3A_681 = arith.constant 200 : i32
      %dma_wait3A_682 = arith.constant 0 : i32
      %dma_wait3A_683 = tpu.memref_slice %arg11[%dma_wait3A_681, %dma_wait3A_682] : memref<400x64xf32, #tpu.memory_space<vmem>> -> memref<200x64xf32, #tpu.memory_space<vmem>>
      %dma_wait3A_684 = arith.constant 0 : i32
      %dma_wait3A_685 = arith.constant 0 : i32
      %dma_wait3A_686 = tpu.memref_slice %arg4[%dma_wait3A_680, %dma_wait3A_684, %dma_wait3A_685] : memref<4096x200x64xf32, #tpu.memory_space<hbm>> -> memref<1x200x64xf32, #tpu.memory_space<hbm>>
      %dma_wait3A_687 = tpu.memref_squeeze %dma_wait3A_686 : memref<1x200x64xf32, #tpu.memory_space<hbm>> -> memref<200x64xf32, #tpu.memory_space<hbm>>
      %dma_wait3A_688 = arith.constant 0 : i32
      %dma_wait3A_689 = arith.constant 0 : i32
      %dma_wait3A_690 = tpu.memref_slice %arg4[%dma_wait3A_680, %dma_wait3A_688, %dma_wait3A_689] : memref<4096x200x64xf32, #tpu.memory_space<hbm>> -> memref<1x200x64xf32, #tpu.memory_space<hbm>>
      %dma_wait3A_691 = tpu.memref_squeeze %dma_wait3A_690 : memref<1x200x64xf32, #tpu.memory_space<hbm>> -> memref<200x64xf32, #tpu.memory_space<hbm>>
      %dma_wait3A_692 = arith.constant 200 : i32
      %dma_wait3A_693 = arith.constant 0 : i32
      %dma_wait3A_694 = tpu.memref_slice %arg11[%dma_wait3A_692, %dma_wait3A_693] : memref<400x64xf32, #tpu.memory_space<vmem>> -> memref<200x64xf32, #tpu.memory_space<vmem>>
      tpu.wait_dma2 semaphore(%arg19 : memref<!tpu.dma_semaphore, #tpu.memory_space<semaphore_mem>>) src(%dma_wait3A_694 : memref<200x64xf32, #tpu.memory_space<vmem>>) dst(%dma_wait3A_691 : memref<200x64xf32, #tpu.memory_space<hbm>>)
      %mul3A_695 = arith.constant 400 : i32
      %mul3A_696 = arith.muli %add3A_598, %mul3A_695 : i32
      %add3A_697 = arith.addi %mul3A_2, %mul3A_696 : i32
      "tpu.region"() ({
        %run_scoped3A = tpu.sem_alloc : memref<!tpu.dma_semaphore, #tpu.memory_space<semaphore_mem>>
        %dma_start3A_807 = tpu.memref_slice %arg3[%add3A_697] : memref<819200xi32, #tpu.memory_space<hbm>> -> memref<400xi32, #tpu.memory_space<hbm>>
        %dma_start3A_808 = tpu.memref_slice %arg3[%add3A_697] : memref<819200xi32, #tpu.memory_space<hbm>> -> memref<400xi32, #tpu.memory_space<hbm>>
        tpu.enqueue_dma source(%dma_start3A_808 : memref<400xi32, #tpu.memory_space<hbm>>) target(%arg7 : memref<400xi32, #tpu.memory_space<vmem>>) target_semaphore(%run_scoped3A : memref<!tpu.dma_semaphore, #tpu.memory_space<semaphore_mem>>)
        %dma_wait3A_809 = tpu.memref_slice %arg3[%add3A_697] : memref<819200xi32, #tpu.memory_space<hbm>> -> memref<400xi32, #tpu.memory_space<hbm>>
        %dma_wait3A_810 = tpu.memref_slice %arg3[%add3A_697] : memref<819200xi32, #tpu.memory_space<hbm>> -> memref<400xi32, #tpu.memory_space<hbm>>
        tpu.wait_dma2 semaphore(%run_scoped3A : memref<!tpu.dma_semaphore, #tpu.memory_space<semaphore_mem>>) src(%dma_wait3A_810 : memref<400xi32, #tpu.memory_space<hbm>>) dst(%arg7 : memref<400xi32, #tpu.memory_space<vmem>>)
        tpu.yield
      }) : () -> ()
      %dma_start3A_698 = arith.constant 0 : i32
      %dma_start3A_699 = arith.constant 0 : i32
      %dma_start3A_700 = tpu.memref_slice %arg2[%dma_start3A_698, %dma_start3A_699] : memref<1000000x64xf32, #tpu.memory_space<hbm>> -> memref<1000000x64xf32, #tpu.memory_space<hbm>>
      tpu.enqueue_indirect_dma source(%dma_start3A_700 : memref<1000000x64xf32, #tpu.memory_space<hbm>>) target(%arg11 : memref<400x64xf32, #tpu.memory_space<vmem>>) offsets(%arg7 : memref<400xi32, #tpu.memory_space<vmem>>) semaphore(%arg15 : memref<!tpu.dma_semaphore, #tpu.memory_space<semaphore_mem>>)
      %mul3A_701 = arith.constant 4 : i32
      %mul3A_702 = arith.muli %scan3A_382, %mul3A_701 : i32
      %add3A_703 = arith.constant 3 : i32
      %add3A_704 = arith.addi %mul3A_702, %add3A_703 : i32
      %sub3A_705 = arith.constant 2 : i32
      %sub3A_706 = arith.subi %add3A_704, %sub3A_705 : i32
      %dma_wait3A_707 = arith.constant 0 : i32
      %dma_wait3A_708 = arith.constant 0 : i32
      %dma_wait3A_709 = tpu.memref_slice %arg2[%dma_wait3A_707, %dma_wait3A_708] : memref<1000000x64xf32, #tpu.memory_space<hbm>> -> memref<1000000x64xf32, #tpu.memory_space<hbm>>
      tpu.wait_indirect_dma semaphore(%arg14 : memref<!tpu.dma_semaphore, #tpu.memory_space<semaphore_mem>>) src(%dma_wait3A_709 : memref<1000000x64xf32, #tpu.memory_space<hbm>>) dst(%arg10 : memref<400x64xf32, #tpu.memory_space<vmem>>)
      %mul3A_710 = arith.constant 400 : i32
      %mul3A_711 = arith.muli %sub3A_706, %mul3A_710 : i32
      %add3A_712 = arith.addi %mul3A_2, %mul3A_711 : i32
      %jit3A_713 = arith.constant 200 : i32
      %div3A_714 = arith.divsi %add3A_712, %jit3A_713 : i32
      %sign3A_715 = arith.constant 0 : i32
      %sign3A_716 = arith.cmpi sgt, %add3A_712, %sign3A_715 : i32
      %sign3A_717 = arith.extui %sign3A_716 : i1 to i32
      %sign3A_718 = arith.constant 0 : i32
      %sign3A_719 = arith.cmpi slt, %add3A_712, %sign3A_718 : i32
      %sign3A_720 = arith.extui %sign3A_719 : i1 to i32
      %sign3A_721 = arith.subi %sign3A_717, %sign3A_720 : i32
      %sign3A_722 = arith.constant 0 : i32
      %sign3A_723 = arith.cmpi sgt, %jit3A_713, %sign3A_722 : i32
      %sign3A_724 = arith.extui %sign3A_723 : i1 to i32
      %sign3A_725 = arith.constant 0 : i32
      %sign3A_726 = arith.cmpi slt, %jit3A_713, %sign3A_725 : i32
      %sign3A_727 = arith.extui %sign3A_726 : i1 to i32
      %sign3A_728 = arith.subi %sign3A_724, %sign3A_727 : i32
      %ne3A_729 = arith.cmpi ne, %sign3A_721, %sign3A_728 : i32
      %rem3A_730 = arith.remsi %add3A_712, %jit3A_713 : i32
      %ne3A_731 = arith.constant 0 : i32
      %ne3A_732 = arith.cmpi ne, %rem3A_730, %ne3A_731 : i32
      %and3A_733 = arith.andi %ne3A_729, %ne3A_732 : i1
      %sub3A_734 = arith.constant 1 : i32
      %sub3A_735 = arith.subi %div3A_714, %sub3A_734 : i32
      %select_n3A_736 = arith.select %and3A_733, %sub3A_735, %div3A_714 : i32
      %add3A_737 = arith.constant 0 : i32
      %add3A_738 = arith.addi %select_n3A_736, %add3A_737 : i32
      %dma_start3A_739 = arith.constant 0 : i32
      %dma_start3A_740 = arith.constant 0 : i32
      %dma_start3A_741 = tpu.memref_slice %arg10[%dma_start3A_739, %dma_start3A_740] : memref<400x64xf32, #tpu.memory_space<vmem>> -> memref<200x64xf32, #tpu.memory_space<vmem>>
      %dma_start3A_742 = arith.constant 0 : i32
      %dma_start3A_743 = arith.constant 0 : i32
      %dma_start3A_744 = tpu.memref_slice %arg4[%add3A_738, %dma_start3A_742, %dma_start3A_743] : memref<4096x200x64xf32, #tpu.memory_space<hbm>> -> memref<1x200x64xf32, #tpu.memory_space<hbm>>
      %dma_start3A_745 = tpu.memref_squeeze %dma_start3A_744 : memref<1x200x64xf32, #tpu.memory_space<hbm>> -> memref<200x64xf32, #tpu.memory_space<hbm>>
      %dma_start3A_746 = arith.constant 0 : i32
      %dma_start3A_747 = arith.constant 0 : i32
      %dma_start3A_748 = tpu.memref_slice %arg4[%add3A_738, %dma_start3A_746, %dma_start3A_747] : memref<4096x200x64xf32, #tpu.memory_space<hbm>> -> memref<1x200x64xf32, #tpu.memory_space<hbm>>
      %dma_start3A_749 = tpu.memref_squeeze %dma_start3A_748 : memref<1x200x64xf32, #tpu.memory_space<hbm>> -> memref<200x64xf32, #tpu.memory_space<hbm>>
      %dma_start3A_750 = arith.constant 0 : i32
      %dma_start3A_751 = arith.constant 0 : i32
      %dma_start3A_752 = tpu.memref_slice %arg10[%dma_start3A_750, %dma_start3A_751] : memref<400x64xf32, #tpu.memory_space<vmem>> -> memref<200x64xf32, #tpu.memory_space<vmem>>
      tpu.enqueue_dma source(%dma_start3A_752 : memref<200x64xf32, #tpu.memory_space<vmem>>) target(%dma_start3A_749 : memref<200x64xf32, #tpu.memory_space<hbm>>) target_semaphore(%arg18 : memref<!tpu.dma_semaphore, #tpu.memory_space<semaphore_mem>>)
      %add3A_753 = arith.constant 1 : i32
      %add3A_754 = arith.addi %select_n3A_736, %add3A_753 : i32
      %dma_start3A_755 = arith.constant 200 : i32
      %dma_start3A_756 = arith.constant 0 : i32
      %dma_start3A_757 = tpu.memref_slice %arg10[%dma_start3A_755, %dma_start3A_756] : memref<400x64xf32, #tpu.memory_space<vmem>> -> memref<200x64xf32, #tpu.memory_space<vmem>>
      %dma_start3A_758 = arith.constant 0 : i32
      %dma_start3A_759 = arith.constant 0 : i32
      %dma_start3A_760 = tpu.memref_slice %arg4[%add3A_754, %dma_start3A_758, %dma_start3A_759] : memref<4096x200x64xf32, #tpu.memory_space<hbm>> -> memref<1x200x64xf32, #tpu.memory_space<hbm>>
      %dma_start3A_761 = tpu.memref_squeeze %dma_start3A_760 : memref<1x200x64xf32, #tpu.memory_space<hbm>> -> memref<200x64xf32, #tpu.memory_space<hbm>>
      %dma_start3A_762 = arith.constant 0 : i32
      %dma_start3A_763 = arith.constant 0 : i32
      %dma_start3A_764 = tpu.memref_slice %arg4[%add3A_754, %dma_start3A_762, %dma_start3A_763] : memref<4096x200x64xf32, #tpu.memory_space<hbm>> -> memref<1x200x64xf32, #tpu.memory_space<hbm>>
      %dma_start3A_765 = tpu.memref_squeeze %dma_start3A_764 : memref<1x200x64xf32, #tpu.memory_space<hbm>> -> memref<200x64xf32, #tpu.memory_space<hbm>>
      %dma_start3A_766 = arith.constant 200 : i32
      %dma_start3A_767 = arith.constant 0 : i32
      %dma_start3A_768 = tpu.memref_slice %arg10[%dma_start3A_766, %dma_start3A_767] : memref<400x64xf32, #tpu.memory_space<vmem>> -> memref<200x64xf32, #tpu.memory_space<vmem>>
      tpu.enqueue_dma source(%dma_start3A_768 : memref<200x64xf32, #tpu.memory_space<vmem>>) target(%dma_start3A_765 : memref<200x64xf32, #tpu.memory_space<hbm>>) target_semaphore(%arg18 : memref<!tpu.dma_semaphore, #tpu.memory_space<semaphore_mem>>)
      %sub3A_769 = arith.constant 4 : i32
      %sub3A_770 = arith.subi %add3A_704, %sub3A_769 : i32
      %dma_wait3A_771 = arith.constant 0 : i32
      %dma_wait3A_772 = arith.constant 0 : i32
      %dma_wait3A_773 = arith.constant 0 : i32
      %dma_wait3A_774 = tpu.memref_slice %arg12[%dma_wait3A_772, %dma_wait3A_773] : memref<400x64xf32, #tpu.memory_space<vmem>> -> memref<200x64xf32, #tpu.memory_space<vmem>>
      %dma_wait3A_775 = arith.constant 0 : i32
      %dma_wait3A_776 = arith.constant 0 : i32
      %dma_wait3A_777 = tpu.memref_slice %arg4[%dma_wait3A_771, %dma_wait3A_775, %dma_wait3A_776] : memref<4096x200x64xf32, #tpu.memory_space<hbm>> -> memref<1x200x64xf32, #tpu.memory_space<hbm>>
      %dma_wait3A_778 = tpu.memref_squeeze %dma_wait3A_777 : memref<1x200x64xf32, #tpu.memory_space<hbm>> -> memref<200x64xf32, #tpu.memory_space<hbm>>
      %dma_wait3A_779 = arith.constant 0 : i32
      %dma_wait3A_780 = arith.constant 0 : i32
      %dma_wait3A_781 = tpu.memref_slice %arg4[%dma_wait3A_771, %dma_wait3A_779, %dma_wait3A_780] : memref<4096x200x64xf32, #tpu.memory_space<hbm>> -> memref<1x200x64xf32, #tpu.memory_space<hbm>>
      %dma_wait3A_782 = tpu.memref_squeeze %dma_wait3A_781 : memref<1x200x64xf32, #tpu.memory_space<hbm>> -> memref<200x64xf32, #tpu.memory_space<hbm>>
      %dma_wait3A_783 = arith.constant 0 : i32
      %dma_wait3A_784 = arith.constant 0 : i32
      %dma_wait3A_785 = tpu.memref_slice %arg12[%dma_wait3A_783, %dma_wait3A_784] : memref<400x64xf32, #tpu.memory_space<vmem>> -> memref<200x64xf32, #tpu.memory_space<vmem>>
      tpu.wait_dma2 semaphore(%arg20 : memref<!tpu.dma_semaphore, #tpu.memory_space<semaphore_mem>>) src(%dma_wait3A_785 : memref<200x64xf32, #tpu.memory_space<vmem>>) dst(%dma_wait3A_782 : memref<200x64xf32, #tpu.memory_space<hbm>>)
      %dma_wait3A_786 = arith.constant 0 : i32
      %dma_wait3A_787 = arith.constant 200 : i32
      %dma_wait3A_788 = arith.constant 0 : i32
      %dma_wait3A_789 = tpu.memref_slice %arg12[%dma_wait3A_787, %dma_wait3A_788] : memref<400x64xf32, #tpu.memory_space<vmem>> -> memref<200x64xf32, #tpu.memory_space<vmem>>
      %dma_wait3A_790 = arith.constant 0 : i32
      %dma_wait3A_791 = arith.constant 0 : i32
      %dma_wait3A_792 = tpu.memref_slice %arg4[%dma_wait3A_786, %dma_wait3A_790, %dma_wait3A_791] : memref<4096x200x64xf32, #tpu.memory_space<hbm>> -> memref<1x200x64xf32, #tpu.memory_space<hbm>>
      %dma_wait3A_793 = tpu.memref_squeeze %dma_wait3A_792 : memref<1x200x64xf32, #tpu.memory_space<hbm>> -> memref<200x64xf32, #tpu.memory_space<hbm>>
      %dma_wait3A_794 = arith.constant 0 : i32
      %dma_wait3A_795 = arith.constant 0 : i32
      %dma_wait3A_796 = tpu.memref_slice %arg4[%dma_wait3A_786, %dma_wait3A_794, %dma_wait3A_795] : memref<4096x200x64xf32, #tpu.memory_space<hbm>> -> memref<1x200x64xf32, #tpu.memory_space<hbm>>
      %dma_wait3A_797 = tpu.memref_squeeze %dma_wait3A_796 : memref<1x200x64xf32, #tpu.memory_space<hbm>> -> memref<200x64xf32, #tpu.memory_space<hbm>>
      %dma_wait3A_798 = arith.constant 200 : i32
      %dma_wait3A_799 = arith.constant 0 : i32
      %dma_wait3A_800 = tpu.memref_slice %arg12[%dma_wait3A_798, %dma_wait3A_799] : memref<400x64xf32, #tpu.memory_space<vmem>> -> memref<200x64xf32, #tpu.memory_space<vmem>>
      tpu.wait_dma2 semaphore(%arg20 : memref<!tpu.dma_semaphore, #tpu.memory_space<semaphore_mem>>) src(%dma_wait3A_800 : memref<200x64xf32, #tpu.memory_space<vmem>>) dst(%dma_wait3A_797 : memref<200x64xf32, #tpu.memory_space<hbm>>)
      %mul3A_801 = arith.constant 400 : i32
      %mul3A_802 = arith.muli %add3A_704, %mul3A_801 : i32
      %add3A_803 = arith.addi %mul3A_2, %mul3A_802 : i32
      "tpu.region"() ({
        %run_scoped3A = tpu.sem_alloc : memref<!tpu.dma_semaphore, #tpu.memory_space<semaphore_mem>>
        %dma_start3A_807 = tpu.memref_slice %arg3[%add3A_803] : memref<819200xi32, #tpu.memory_space<hbm>> -> memref<400xi32, #tpu.memory_space<hbm>>
        %dma_start3A_808 = tpu.memref_slice %arg3[%add3A_803] : memref<819200xi32, #tpu.memory_space<hbm>> -> memref<400xi32, #tpu.memory_space<hbm>>
        tpu.enqueue_dma source(%dma_start3A_808 : memref<400xi32, #tpu.memory_space<hbm>>) target(%arg8 : memref<400xi32, #tpu.memory_space<vmem>>) target_semaphore(%run_scoped3A : memref<!tpu.dma_semaphore, #tpu.memory_space<semaphore_mem>>)
        %dma_wait3A_809 = tpu.memref_slice %arg3[%add3A_803] : memref<819200xi32, #tpu.memory_space<hbm>> -> memref<400xi32, #tpu.memory_space<hbm>>
        %dma_wait3A_810 = tpu.memref_slice %arg3[%add3A_803] : memref<819200xi32, #tpu.memory_space<hbm>> -> memref<400xi32, #tpu.memory_space<hbm>>
        tpu.wait_dma2 semaphore(%run_scoped3A : memref<!tpu.dma_semaphore, #tpu.memory_space<semaphore_mem>>) src(%dma_wait3A_810 : memref<400xi32, #tpu.memory_space<hbm>>) dst(%arg8 : memref<400xi32, #tpu.memory_space<vmem>>)
        tpu.yield
      }) : () -> ()
      %dma_start3A_804 = arith.constant 0 : i32
      %dma_start3A_805 = arith.constant 0 : i32
      %dma_start3A_806 = tpu.memref_slice %arg2[%dma_start3A_804, %dma_start3A_805] : memref<1000000x64xf32, #tpu.memory_space<hbm>> -> memref<1000000x64xf32, #tpu.memory_space<hbm>>
      tpu.enqueue_indirect_dma source(%dma_start3A_806 : memref<1000000x64xf32, #tpu.memory_space<hbm>>) target(%arg12 : memref<400x64xf32, #tpu.memory_space<vmem>>) offsets(%arg8 : memref<400xi32, #tpu.memory_space<vmem>>) semaphore(%arg16 : memref<!tpu.dma_semaphore, #tpu.memory_space<semaphore_mem>>)
    }
    %scan3A_139 = arith.constant 15 : i32
    %dma_wait3A_140 = arith.constant 0 : i32
    %dma_wait3A_141 = arith.constant 0 : i32
    %dma_wait3A_142 = tpu.memref_slice %arg2[%dma_wait3A_140, %dma_wait3A_141] : memref<1000000x64xf32, #tpu.memory_space<hbm>> -> memref<1000000x64xf32, #tpu.memory_space<hbm>>
    tpu.wait_indirect_dma semaphore(%arg15 : memref<!tpu.dma_semaphore, #tpu.memory_space<semaphore_mem>>) src(%dma_wait3A_142 : memref<1000000x64xf32, #tpu.memory_space<hbm>>) dst(%arg11 : memref<400x64xf32, #tpu.memory_space<vmem>>)
    %add3A_143 = arith.constant 24800 : i32
    %add3A_144 = arith.addi %mul3A_2, %add3A_143 : i32
    %jit3A_145 = arith.constant 200 : i32
    %div3A_146 = arith.divsi %add3A_144, %jit3A_145 : i32
    %sign3A_147 = arith.constant 0 : i32
    %sign3A_148 = arith.cmpi sgt, %add3A_144, %sign3A_147 : i32
    %sign3A_149 = arith.extui %sign3A_148 : i1 to i32
    %sign3A_150 = arith.constant 0 : i32
    %sign3A_151 = arith.cmpi slt, %add3A_144, %sign3A_150 : i32
    %sign3A_152 = arith.extui %sign3A_151 : i1 to i32
    %sign3A_153 = arith.subi %sign3A_149, %sign3A_152 : i32
    %sign3A_154 = arith.constant 0 : i32
    %sign3A_155 = arith.cmpi sgt, %jit3A_145, %sign3A_154 : i32
    %sign3A_156 = arith.extui %sign3A_155 : i1 to i32
    %sign3A_157 = arith.constant 0 : i32
    %sign3A_158 = arith.cmpi slt, %jit3A_145, %sign3A_157 : i32
    %sign3A_159 = arith.extui %sign3A_158 : i1 to i32
    %sign3A_160 = arith.subi %sign3A_156, %sign3A_159 : i32
    %ne3A_161 = arith.cmpi ne, %sign3A_153, %sign3A_160 : i32
    %rem3A_162 = arith.remsi %add3A_144, %jit3A_145 : i32
    %ne3A_163 = arith.constant 0 : i32
    %ne3A_164 = arith.cmpi ne, %rem3A_162, %ne3A_163 : i32
    %and3A_165 = arith.andi %ne3A_161, %ne3A_164 : i1
    %sub3A_166 = arith.constant 1 : i32
    %sub3A_167 = arith.subi %div3A_146, %sub3A_166 : i32
    %select_n3A_168 = arith.select %and3A_165, %sub3A_167, %div3A_146 : i32
    %add3A_169 = arith.constant 0 : i32
    %add3A_170 = arith.addi %select_n3A_168, %add3A_169 : i32
    %dma_start3A_171 = arith.constant 0 : i32
    %dma_start3A_172 = arith.constant 0 : i32
    %dma_start3A_173 = tpu.memref_slice %arg11[%dma_start3A_171, %dma_start3A_172] : memref<400x64xf32, #tpu.memory_space<vmem>> -> memref<200x64xf32, #tpu.memory_space<vmem>>
    %dma_start3A_174 = arith.constant 0 : i32
    %dma_start3A_175 = arith.constant 0 : i32
    %dma_start3A_176 = tpu.memref_slice %arg4[%add3A_170, %dma_start3A_174, %dma_start3A_175] : memref<4096x200x64xf32, #tpu.memory_space<hbm>> -> memref<1x200x64xf32, #tpu.memory_space<hbm>>
    %dma_start3A_177 = tpu.memref_squeeze %dma_start3A_176 : memref<1x200x64xf32, #tpu.memory_space<hbm>> -> memref<200x64xf32, #tpu.memory_space<hbm>>
    %dma_start3A_178 = arith.constant 0 : i32
    %dma_start3A_179 = arith.constant 0 : i32
    %dma_start3A_180 = tpu.memref_slice %arg4[%add3A_170, %dma_start3A_178, %dma_start3A_179] : memref<4096x200x64xf32, #tpu.memory_space<hbm>> -> memref<1x200x64xf32, #tpu.memory_space<hbm>>
    %dma_start3A_181 = tpu.memref_squeeze %dma_start3A_180 : memref<1x200x64xf32, #tpu.memory_space<hbm>> -> memref<200x64xf32, #tpu.memory_space<hbm>>
    %dma_start3A_182 = arith.constant 0 : i32
    %dma_start3A_183 = arith.constant 0 : i32
    %dma_start3A_184 = tpu.memref_slice %arg11[%dma_start3A_182, %dma_start3A_183] : memref<400x64xf32, #tpu.memory_space<vmem>> -> memref<200x64xf32, #tpu.memory_space<vmem>>
    tpu.enqueue_dma source(%dma_start3A_184 : memref<200x64xf32, #tpu.memory_space<vmem>>) target(%dma_start3A_181 : memref<200x64xf32, #tpu.memory_space<hbm>>) target_semaphore(%arg19 : memref<!tpu.dma_semaphore, #tpu.memory_space<semaphore_mem>>)
    %add3A_185 = arith.constant 1 : i32
    %add3A_186 = arith.addi %select_n3A_168, %add3A_185 : i32
    %dma_start3A_187 = arith.constant 200 : i32
    %dma_start3A_188 = arith.constant 0 : i32
    %dma_start3A_189 = tpu.memref_slice %arg11[%dma_start3A_187, %dma_start3A_188] : memref<400x64xf32, #tpu.memory_space<vmem>> -> memref<200x64xf32, #tpu.memory_space<vmem>>
    %dma_start3A_190 = arith.constant 0 : i32
    %dma_start3A_191 = arith.constant 0 : i32
    %dma_start3A_192 = tpu.memref_slice %arg4[%add3A_186, %dma_start3A_190, %dma_start3A_191] : memref<4096x200x64xf32, #tpu.memory_space<hbm>> -> memref<1x200x64xf32, #tpu.memory_space<hbm>>
    %dma_start3A_193 = tpu.memref_squeeze %dma_start3A_192 : memref<1x200x64xf32, #tpu.memory_space<hbm>> -> memref<200x64xf32, #tpu.memory_space<hbm>>
    %dma_start3A_194 = arith.constant 0 : i32
    %dma_start3A_195 = arith.constant 0 : i32
    %dma_start3A_196 = tpu.memref_slice %arg4[%add3A_186, %dma_start3A_194, %dma_start3A_195] : memref<4096x200x64xf32, #tpu.memory_space<hbm>> -> memref<1x200x64xf32, #tpu.memory_space<hbm>>
    %dma_start3A_197 = tpu.memref_squeeze %dma_start3A_196 : memref<1x200x64xf32, #tpu.memory_space<hbm>> -> memref<200x64xf32, #tpu.memory_space<hbm>>
    %dma_start3A_198 = arith.constant 200 : i32
    %dma_start3A_199 = arith.constant 0 : i32
    %dma_start3A_200 = tpu.memref_slice %arg11[%dma_start3A_198, %dma_start3A_199] : memref<400x64xf32, #tpu.memory_space<vmem>> -> memref<200x64xf32, #tpu.memory_space<vmem>>
    tpu.enqueue_dma source(%dma_start3A_200 : memref<200x64xf32, #tpu.memory_space<vmem>>) target(%dma_start3A_197 : memref<200x64xf32, #tpu.memory_space<hbm>>) target_semaphore(%arg19 : memref<!tpu.dma_semaphore, #tpu.memory_space<semaphore_mem>>)
    %dma_wait3A_201 = arith.constant 0 : i32
    %dma_wait3A_202 = arith.constant 0 : i32
    %dma_wait3A_203 = tpu.memref_slice %arg2[%dma_wait3A_201, %dma_wait3A_202] : memref<1000000x64xf32, #tpu.memory_space<hbm>> -> memref<1000000x64xf32, #tpu.memory_space<hbm>>
    tpu.wait_indirect_dma semaphore(%arg16 : memref<!tpu.dma_semaphore, #tpu.memory_space<semaphore_mem>>) src(%dma_wait3A_203 : memref<1000000x64xf32, #tpu.memory_space<hbm>>) dst(%arg12 : memref<400x64xf32, #tpu.memory_space<vmem>>)
    %add3A_204 = arith.constant 25200 : i32
    %add3A_205 = arith.addi %mul3A_2, %add3A_204 : i32
    %jit3A_206 = arith.constant 200 : i32
    %div3A_207 = arith.divsi %add3A_205, %jit3A_206 : i32
    %sign3A_208 = arith.constant 0 : i32
    %sign3A_209 = arith.cmpi sgt, %add3A_205, %sign3A_208 : i32
    %sign3A_210 = arith.extui %sign3A_209 : i1 to i32
    %sign3A_211 = arith.constant 0 : i32
    %sign3A_212 = arith.cmpi slt, %add3A_205, %sign3A_211 : i32
    %sign3A_213 = arith.extui %sign3A_212 : i1 to i32
    %sign3A_214 = arith.subi %sign3A_210, %sign3A_213 : i32
    %sign3A_215 = arith.constant 0 : i32
    %sign3A_216 = arith.cmpi sgt, %jit3A_206, %sign3A_215 : i32
    %sign3A_217 = arith.extui %sign3A_216 : i1 to i32
    %sign3A_218 = arith.constant 0 : i32
    %sign3A_219 = arith.cmpi slt, %jit3A_206, %sign3A_218 : i32
    %sign3A_220 = arith.extui %sign3A_219 : i1 to i32
    %sign3A_221 = arith.subi %sign3A_217, %sign3A_220 : i32
    %ne3A_222 = arith.cmpi ne, %sign3A_214, %sign3A_221 : i32
    %rem3A_223 = arith.remsi %add3A_205, %jit3A_206 : i32
    %ne3A_224 = arith.constant 0 : i32
    %ne3A_225 = arith.cmpi ne, %rem3A_223, %ne3A_224 : i32
    %and3A_226 = arith.andi %ne3A_222, %ne3A_225 : i1
    %sub3A_227 = arith.constant 1 : i32
    %sub3A_228 = arith.subi %div3A_207, %sub3A_227 : i32
    %select_n3A_229 = arith.select %and3A_226, %sub3A_228, %div3A_207 : i32
    %add3A_230 = arith.constant 0 : i32
    %add3A_231 = arith.addi %select_n3A_229, %add3A_230 : i32
    %dma_start3A_232 = arith.constant 0 : i32
    %dma_start3A_233 = arith.constant 0 : i32
    %dma_start3A_234 = tpu.memref_slice %arg12[%dma_start3A_232, %dma_start3A_233] : memref<400x64xf32, #tpu.memory_space<vmem>> -> memref<200x64xf32, #tpu.memory_space<vmem>>
    %dma_start3A_235 = arith.constant 0 : i32
    %dma_start3A_236 = arith.constant 0 : i32
    %dma_start3A_237 = tpu.memref_slice %arg4[%add3A_231, %dma_start3A_235, %dma_start3A_236] : memref<4096x200x64xf32, #tpu.memory_space<hbm>> -> memref<1x200x64xf32, #tpu.memory_space<hbm>>
    %dma_start3A_238 = tpu.memref_squeeze %dma_start3A_237 : memref<1x200x64xf32, #tpu.memory_space<hbm>> -> memref<200x64xf32, #tpu.memory_space<hbm>>
    %dma_start3A_239 = arith.constant 0 : i32
    %dma_start3A_240 = arith.constant 0 : i32
    %dma_start3A_241 = tpu.memref_slice %arg4[%add3A_231, %dma_start3A_239, %dma_start3A_240] : memref<4096x200x64xf32, #tpu.memory_space<hbm>> -> memref<1x200x64xf32, #tpu.memory_space<hbm>>
    %dma_start3A_242 = tpu.memref_squeeze %dma_start3A_241 : memref<1x200x64xf32, #tpu.memory_space<hbm>> -> memref<200x64xf32, #tpu.memory_space<hbm>>
    %dma_start3A_243 = arith.constant 0 : i32
    %dma_start3A_244 = arith.constant 0 : i32
    %dma_start3A_245 = tpu.memref_slice %arg12[%dma_start3A_243, %dma_start3A_244] : memref<400x64xf32, #tpu.memory_space<vmem>> -> memref<200x64xf32, #tpu.memory_space<vmem>>
    tpu.enqueue_dma source(%dma_start3A_245 : memref<200x64xf32, #tpu.memory_space<vmem>>) target(%dma_start3A_242 : memref<200x64xf32, #tpu.memory_space<hbm>>) target_semaphore(%arg20 : memref<!tpu.dma_semaphore, #tpu.memory_space<semaphore_mem>>)
    %add3A_246 = arith.constant 1 : i32
    %add3A_247 = arith.addi %select_n3A_229, %add3A_246 : i32
    %dma_start3A_248 = arith.constant 200 : i32
    %dma_start3A_249 = arith.constant 0 : i32
    %dma_start3A_250 = tpu.memref_slice %arg12[%dma_start3A_248, %dma_start3A_249] : memref<400x64xf32, #tpu.memory_space<vmem>> -> memref<200x64xf32, #tpu.memory_space<vmem>>
    %dma_start3A_251 = arith.constant 0 : i32
    %dma_start3A_252 = arith.constant 0 : i32
    %dma_start3A_253 = tpu.memref_slice %arg4[%add3A_247, %dma_start3A_251, %dma_start3A_252] : memref<4096x200x64xf32, #tpu.memory_space<hbm>> -> memref<1x200x64xf32, #tpu.memory_space<hbm>>
    %dma_start3A_254 = tpu.memref_squeeze %dma_start3A_253 : memref<1x200x64xf32, #tpu.memory_space<hbm>> -> memref<200x64xf32, #tpu.memory_space<hbm>>
    %dma_start3A_255 = arith.constant 0 : i32
    %dma_start3A_256 = arith.constant 0 : i32
    %dma_start3A_257 = tpu.memref_slice %arg4[%add3A_247, %dma_start3A_255, %dma_start3A_256] : memref<4096x200x64xf32, #tpu.memory_space<hbm>> -> memref<1x200x64xf32, #tpu.memory_space<hbm>>
    %dma_start3A_258 = tpu.memref_squeeze %dma_start3A_257 : memref<1x200x64xf32, #tpu.memory_space<hbm>> -> memref<200x64xf32, #tpu.memory_space<hbm>>
    %dma_start3A_259 = arith.constant 200 : i32
    %dma_start3A_260 = arith.constant 0 : i32
    %dma_start3A_261 = tpu.memref_slice %arg12[%dma_start3A_259, %dma_start3A_260] : memref<400x64xf32, #tpu.memory_space<vmem>> -> memref<200x64xf32, #tpu.memory_space<vmem>>
    tpu.enqueue_dma source(%dma_start3A_261 : memref<200x64xf32, #tpu.memory_space<vmem>>) target(%dma_start3A_258 : memref<200x64xf32, #tpu.memory_space<hbm>>) target_semaphore(%arg20 : memref<!tpu.dma_semaphore, #tpu.memory_space<semaphore_mem>>)
    %dma_wait3A_262 = arith.constant 0 : i32
    %dma_wait3A_263 = arith.constant 0 : i32
    %dma_wait3A_264 = arith.constant 0 : i32
    %dma_wait3A_265 = tpu.memref_slice %arg9[%dma_wait3A_263, %dma_wait3A_264] : memref<400x64xf32, #tpu.memory_space<vmem>> -> memref<200x64xf32, #tpu.memory_space<vmem>>
    %dma_wait3A_266 = arith.constant 0 : i32
    %dma_wait3A_267 = arith.constant 0 : i32
    %dma_wait3A_268 = tpu.memref_slice %arg4[%dma_wait3A_262, %dma_wait3A_266, %dma_wait3A_267] : memref<4096x200x64xf32, #tpu.memory_space<hbm>> -> memref<1x200x64xf32, #tpu.memory_space<hbm>>
    %dma_wait3A_269 = tpu.memref_squeeze %dma_wait3A_268 : memref<1x200x64xf32, #tpu.memory_space<hbm>> -> memref<200x64xf32, #tpu.memory_space<hbm>>
    %dma_wait3A_270 = arith.constant 0 : i32
    %dma_wait3A_271 = arith.constant 0 : i32
    %dma_wait3A_272 = tpu.memref_slice %arg4[%dma_wait3A_262, %dma_wait3A_270, %dma_wait3A_271] : memref<4096x200x64xf32, #tpu.memory_space<hbm>> -> memref<1x200x64xf32, #tpu.memory_space<hbm>>
    %dma_wait3A_273 = tpu.memref_squeeze %dma_wait3A_272 : memref<1x200x64xf32, #tpu.memory_space<hbm>> -> memref<200x64xf32, #tpu.memory_space<hbm>>
    %dma_wait3A_274 = arith.constant 0 : i32
    %dma_wait3A_275 = arith.constant 0 : i32
    %dma_wait3A_276 = tpu.memref_slice %arg9[%dma_wait3A_274, %dma_wait3A_275] : memref<400x64xf32, #tpu.memory_space<vmem>> -> memref<200x64xf32, #tpu.memory_space<vmem>>
    tpu.wait_dma2 semaphore(%arg17 : memref<!tpu.dma_semaphore, #tpu.memory_space<semaphore_mem>>) src(%dma_wait3A_276 : memref<200x64xf32, #tpu.memory_space<vmem>>) dst(%dma_wait3A_273 : memref<200x64xf32, #tpu.memory_space<hbm>>)
    %dma_wait3A_277 = arith.constant 0 : i32
    %dma_wait3A_278 = arith.constant 200 : i32
    %dma_wait3A_279 = arith.constant 0 : i32
    %dma_wait3A_280 = tpu.memref_slice %arg9[%dma_wait3A_278, %dma_wait3A_279] : memref<400x64xf32, #tpu.memory_space<vmem>> -> memref<200x64xf32, #tpu.memory_space<vmem>>
    %dma_wait3A_281 = arith.constant 0 : i32
    %dma_wait3A_282 = arith.constant 0 : i32
    %dma_wait3A_283 = tpu.memref_slice %arg4[%dma_wait3A_277, %dma_wait3A_281, %dma_wait3A_282] : memref<4096x200x64xf32, #tpu.memory_space<hbm>> -> memref<1x200x64xf32, #tpu.memory_space<hbm>>
    %dma_wait3A_284 = tpu.memref_squeeze %dma_wait3A_283 : memref<1x200x64xf32, #tpu.memory_space<hbm>> -> memref<200x64xf32, #tpu.memory_space<hbm>>
    %dma_wait3A_285 = arith.constant 0 : i32
    %dma_wait3A_286 = arith.constant 0 : i32
    %dma_wait3A_287 = tpu.memref_slice %arg4[%dma_wait3A_277, %dma_wait3A_285, %dma_wait3A_286] : memref<4096x200x64xf32, #tpu.memory_space<hbm>> -> memref<1x200x64xf32, #tpu.memory_space<hbm>>
    %dma_wait3A_288 = tpu.memref_squeeze %dma_wait3A_287 : memref<1x200x64xf32, #tpu.memory_space<hbm>> -> memref<200x64xf32, #tpu.memory_space<hbm>>
    %dma_wait3A_289 = arith.constant 200 : i32
    %dma_wait3A_290 = arith.constant 0 : i32
    %dma_wait3A_291 = tpu.memref_slice %arg9[%dma_wait3A_289, %dma_wait3A_290] : memref<400x64xf32, #tpu.memory_space<vmem>> -> memref<200x64xf32, #tpu.memory_space<vmem>>
    tpu.wait_dma2 semaphore(%arg17 : memref<!tpu.dma_semaphore, #tpu.memory_space<semaphore_mem>>) src(%dma_wait3A_291 : memref<200x64xf32, #tpu.memory_space<vmem>>) dst(%dma_wait3A_288 : memref<200x64xf32, #tpu.memory_space<hbm>>)
    %dma_wait3A_292 = arith.constant 0 : i32
    %dma_wait3A_293 = arith.constant 0 : i32
    %dma_wait3A_294 = arith.constant 0 : i32
    %dma_wait3A_295 = tpu.memref_slice %arg10[%dma_wait3A_293, %dma_wait3A_294] : memref<400x64xf32, #tpu.memory_space<vmem>> -> memref<200x64xf32, #tpu.memory_space<vmem>>
    %dma_wait3A_296 = arith.constant 0 : i32
    %dma_wait3A_297 = arith.constant 0 : i32
    %dma_wait3A_298 = tpu.memref_slice %arg4[%dma_wait3A_292, %dma_wait3A_296, %dma_wait3A_297] : memref<4096x200x64xf32, #tpu.memory_space<hbm>> -> memref<1x200x64xf32, #tpu.memory_space<hbm>>
    %dma_wait3A_299 = tpu.memref_squeeze %dma_wait3A_298 : memref<1x200x64xf32, #tpu.memory_space<hbm>> -> memref<200x64xf32, #tpu.memory_space<hbm>>
    %dma_wait3A_300 = arith.constant 0 : i32
    %dma_wait3A_301 = arith.constant 0 : i32
    %dma_wait3A_302 = tpu.memref_slice %arg4[%dma_wait3A_292, %dma_wait3A_300, %dma_wait3A_301] : memref<4096x200x64xf32, #tpu.memory_space<hbm>> -> memref<1x200x64xf32, #tpu.memory_space<hbm>>
    %dma_wait3A_303 = tpu.memref_squeeze %dma_wait3A_302 : memref<1x200x64xf32, #tpu.memory_space<hbm>> -> memref<200x64xf32, #tpu.memory_space<hbm>>
    %dma_wait3A_304 = arith.constant 0 : i32
    %dma_wait3A_305 = arith.constant 0 : i32
    %dma_wait3A_306 = tpu.memref_slice %arg10[%dma_wait3A_304, %dma_wait3A_305] : memref<400x64xf32, #tpu.memory_space<vmem>> -> memref<200x64xf32, #tpu.memory_space<vmem>>
    tpu.wait_dma2 semaphore(%arg18 : memref<!tpu.dma_semaphore, #tpu.memory_space<semaphore_mem>>) src(%dma_wait3A_306 : memref<200x64xf32, #tpu.memory_space<vmem>>) dst(%dma_wait3A_303 : memref<200x64xf32, #tpu.memory_space<hbm>>)
    %dma_wait3A_307 = arith.constant 0 : i32
    %dma_wait3A_308 = arith.constant 200 : i32
    %dma_wait3A_309 = arith.constant 0 : i32
    %dma_wait3A_310 = tpu.memref_slice %arg10[%dma_wait3A_308, %dma_wait3A_309] : memref<400x64xf32, #tpu.memory_space<vmem>> -> memref<200x64xf32, #tpu.memory_space<vmem>>
    %dma_wait3A_311 = arith.constant 0 : i32
    %dma_wait3A_312 = arith.constant 0 : i32
    %dma_wait3A_313 = tpu.memref_slice %arg4[%dma_wait3A_307, %dma_wait3A_311, %dma_wait3A_312] : memref<4096x200x64xf32, #tpu.memory_space<hbm>> -> memref<1x200x64xf32, #tpu.memory_space<hbm>>
    %dma_wait3A_314 = tpu.memref_squeeze %dma_wait3A_313 : memref<1x200x64xf32, #tpu.memory_space<hbm>> -> memref<200x64xf32, #tpu.memory_space<hbm>>
    %dma_wait3A_315 = arith.constant 0 : i32
    %dma_wait3A_316 = arith.constant 0 : i32
    %dma_wait3A_317 = tpu.memref_slice %arg4[%dma_wait3A_307, %dma_wait3A_315, %dma_wait3A_316] : memref<4096x200x64xf32, #tpu.memory_space<hbm>> -> memref<1x200x64xf32, #tpu.memory_space<hbm>>
    %dma_wait3A_318 = tpu.memref_squeeze %dma_wait3A_317 : memref<1x200x64xf32, #tpu.memory_space<hbm>> -> memref<200x64xf32, #tpu.memory_space<hbm>>
    %dma_wait3A_319 = arith.constant 200 : i32
    %dma_wait3A_320 = arith.constant 0 : i32
    %dma_wait3A_321 = tpu.memref_slice %arg10[%dma_wait3A_319, %dma_wait3A_320] : memref<400x64xf32, #tpu.memory_space<vmem>> -> memref<200x64xf32, #tpu.memory_space<vmem>>
    tpu.wait_dma2 semaphore(%arg18 : memref<!tpu.dma_semaphore, #tpu.memory_space<semaphore_mem>>) src(%dma_wait3A_321 : memref<200x64xf32, #tpu.memory_space<vmem>>) dst(%dma_wait3A_318 : memref<200x64xf32, #tpu.memory_space<hbm>>)
    %dma_wait3A_322 = arith.constant 0 : i32
    %dma_wait3A_323 = arith.constant 0 : i32
    %dma_wait3A_324 = arith.constant 0 : i32
    %dma_wait3A_325 = tpu.memref_slice %arg11[%dma_wait3A_323, %dma_wait3A_324] : memref<400x64xf32, #tpu.memory_space<vmem>> -> memref<200x64xf32, #tpu.memory_space<vmem>>
    %dma_wait3A_326 = arith.constant 0 : i32
    %dma_wait3A_327 = arith.constant 0 : i32
    %dma_wait3A_328 = tpu.memref_slice %arg4[%dma_wait3A_322, %dma_wait3A_326, %dma_wait3A_327] : memref<4096x200x64xf32, #tpu.memory_space<hbm>> -> memref<1x200x64xf32, #tpu.memory_space<hbm>>
    %dma_wait3A_329 = tpu.memref_squeeze %dma_wait3A_328 : memref<1x200x64xf32, #tpu.memory_space<hbm>> -> memref<200x64xf32, #tpu.memory_space<hbm>>
    %dma_wait3A_330 = arith.constant 0 : i32
    %dma_wait3A_331 = arith.constant 0 : i32
    %dma_wait3A_332 = tpu.memref_slice %arg4[%dma_wait3A_322, %dma_wait3A_330, %dma_wait3A_331] : memref<4096x200x64xf32, #tpu.memory_space<hbm>> -> memref<1x200x64xf32, #tpu.memory_space<hbm>>
    %dma_wait3A_333 = tpu.memref_squeeze %dma_wait3A_332 : memref<1x200x64xf32, #tpu.memory_space<hbm>> -> memref<200x64xf32, #tpu.memory_space<hbm>>
    %dma_wait3A_334 = arith.constant 0 : i32
    %dma_wait3A_335 = arith.constant 0 : i32
    %dma_wait3A_336 = tpu.memref_slice %arg11[%dma_wait3A_334, %dma_wait3A_335] : memref<400x64xf32, #tpu.memory_space<vmem>> -> memref<200x64xf32, #tpu.memory_space<vmem>>
    tpu.wait_dma2 semaphore(%arg19 : memref<!tpu.dma_semaphore, #tpu.memory_space<semaphore_mem>>) src(%dma_wait3A_336 : memref<200x64xf32, #tpu.memory_space<vmem>>) dst(%dma_wait3A_333 : memref<200x64xf32, #tpu.memory_space<hbm>>)
    %dma_wait3A_337 = arith.constant 0 : i32
    %dma_wait3A_338 = arith.constant 200 : i32
    %dma_wait3A_339 = arith.constant 0 : i32
    %dma_wait3A_340 = tpu.memref_slice %arg11[%dma_wait3A_338, %dma_wait3A_339] : memref<400x64xf32, #tpu.memory_space<vmem>> -> memref<200x64xf32, #tpu.memory_space<vmem>>
    %dma_wait3A_341 = arith.constant 0 : i32
    %dma_wait3A_342 = arith.constant 0 : i32
    %dma_wait3A_343 = tpu.memref_slice %arg4[%dma_wait3A_337, %dma_wait3A_341, %dma_wait3A_342] : memref<4096x200x64xf32, #tpu.memory_space<hbm>> -> memref<1x200x64xf32, #tpu.memory_space<hbm>>
    %dma_wait3A_344 = tpu.memref_squeeze %dma_wait3A_343 : memref<1x200x64xf32, #tpu.memory_space<hbm>> -> memref<200x64xf32, #tpu.memory_space<hbm>>
    %dma_wait3A_345 = arith.constant 0 : i32
    %dma_wait3A_346 = arith.constant 0 : i32
    %dma_wait3A_347 = tpu.memref_slice %arg4[%dma_wait3A_337, %dma_wait3A_345, %dma_wait3A_346] : memref<4096x200x64xf32, #tpu.memory_space<hbm>> -> memref<1x200x64xf32, #tpu.memory_space<hbm>>
    %dma_wait3A_348 = tpu.memref_squeeze %dma_wait3A_347 : memref<1x200x64xf32, #tpu.memory_space<hbm>> -> memref<200x64xf32, #tpu.memory_space<hbm>>
    %dma_wait3A_349 = arith.constant 200 : i32
    %dma_wait3A_350 = arith.constant 0 : i32
    %dma_wait3A_351 = tpu.memref_slice %arg11[%dma_wait3A_349, %dma_wait3A_350] : memref<400x64xf32, #tpu.memory_space<vmem>> -> memref<200x64xf32, #tpu.memory_space<vmem>>
    tpu.wait_dma2 semaphore(%arg19 : memref<!tpu.dma_semaphore, #tpu.memory_space<semaphore_mem>>) src(%dma_wait3A_351 : memref<200x64xf32, #tpu.memory_space<vmem>>) dst(%dma_wait3A_348 : memref<200x64xf32, #tpu.memory_space<hbm>>)
    %dma_wait3A_352 = arith.constant 0 : i32
    %dma_wait3A_353 = arith.constant 0 : i32
    %dma_wait3A_354 = arith.constant 0 : i32
    %dma_wait3A_355 = tpu.memref_slice %arg12[%dma_wait3A_353, %dma_wait3A_354] : memref<400x64xf32, #tpu.memory_space<vmem>> -> memref<200x64xf32, #tpu.memory_space<vmem>>
    %dma_wait3A_356 = arith.constant 0 : i32
    %dma_wait3A_357 = arith.constant 0 : i32
    %dma_wait3A_358 = tpu.memref_slice %arg4[%dma_wait3A_352, %dma_wait3A_356, %dma_wait3A_357] : memref<4096x200x64xf32, #tpu.memory_space<hbm>> -> memref<1x200x64xf32, #tpu.memory_space<hbm>>
    %dma_wait3A_359 = tpu.memref_squeeze %dma_wait3A_358 : memref<1x200x64xf32, #tpu.memory_space<hbm>> -> memref<200x64xf32, #tpu.memory_space<hbm>>
    %dma_wait3A_360 = arith.constant 0 : i32
    %dma_wait3A_361 = arith.constant 0 : i32
    %dma_wait3A_362 = tpu.memref_slice %arg4[%dma_wait3A_352, %dma_wait3A_360, %dma_wait3A_361] : memref<4096x200x64xf32, #tpu.memory_space<hbm>> -> memref<1x200x64xf32, #tpu.memory_space<hbm>>
    %dma_wait3A_363 = tpu.memref_squeeze %dma_wait3A_362 : memref<1x200x64xf32, #tpu.memory_space<hbm>> -> memref<200x64xf32, #tpu.memory_space<hbm>>
    %dma_wait3A_364 = arith.constant 0 : i32
    %dma_wait3A_365 = arith.constant 0 : i32
    %dma_wait3A_366 = tpu.memref_slice %arg12[%dma_wait3A_364, %dma_wait3A_365] : memref<400x64xf32, #tpu.memory_space<vmem>> -> memref<200x64xf32, #tpu.memory_space<vmem>>
    tpu.wait_dma2 semaphore(%arg20 : memref<!tpu.dma_semaphore, #tpu.memory_space<semaphore_mem>>) src(%dma_wait3A_366 : memref<200x64xf32, #tpu.memory_space<vmem>>) dst(%dma_wait3A_363 : memref<200x64xf32, #tpu.memory_space<hbm>>)
    %dma_wait3A_367 = arith.constant 0 : i32
    %dma_wait3A_368 = arith.constant 200 : i32
    %dma_wait3A_369 = arith.constant 0 : i32
    %dma_wait3A_370 = tpu.memref_slice %arg12[%dma_wait3A_368, %dma_wait3A_369] : memref<400x64xf32, #tpu.memory_space<vmem>> -> memref<200x64xf32, #tpu.memory_space<vmem>>
    %dma_wait3A_371 = arith.constant 0 : i32
    %dma_wait3A_372 = arith.constant 0 : i32
    %dma_wait3A_373 = tpu.memref_slice %arg4[%dma_wait3A_367, %dma_wait3A_371, %dma_wait3A_372] : memref<4096x200x64xf32, #tpu.memory_space<hbm>> -> memref<1x200x64xf32, #tpu.memory_space<hbm>>
    %dma_wait3A_374 = tpu.memref_squeeze %dma_wait3A_373 : memref<1x200x64xf32, #tpu.memory_space<hbm>> -> memref<200x64xf32, #tpu.memory_space<hbm>>
    %dma_wait3A_375 = arith.constant 0 : i32
    %dma_wait3A_376 = arith.constant 0 : i32
    %dma_wait3A_377 = tpu.memref_slice %arg4[%dma_wait3A_367, %dma_wait3A_375, %dma_wait3A_376] : memref<4096x200x64xf32, #tpu.memory_space<hbm>> -> memref<1x200x64xf32, #tpu.memory_space<hbm>>
    %dma_wait3A_378 = tpu.memref_squeeze %dma_wait3A_377 : memref<1x200x64xf32, #tpu.memory_space<hbm>> -> memref<200x64xf32, #tpu.memory_space<hbm>>
    %dma_wait3A_379 = arith.constant 200 : i32
    %dma_wait3A_380 = arith.constant 0 : i32
    %dma_wait3A_381 = tpu.memref_slice %arg12[%dma_wait3A_379, %dma_wait3A_380] : memref<400x64xf32, #tpu.memory_space<vmem>> -> memref<200x64xf32, #tpu.memory_space<vmem>>
    tpu.wait_dma2 semaphore(%arg20 : memref<!tpu.dma_semaphore, #tpu.memory_space<semaphore_mem>>) src(%dma_wait3A_381 : memref<200x64xf32, #tpu.memory_space<vmem>>) dst(%dma_wait3A_378 : memref<200x64xf32, #tpu.memory_space<hbm>>)
    return
  }
}

</mosaic_0001>

<sc_bundles>
// kernel: _sc_gather.3.cloned.1.call-start
scs
__scs_entry_jumppad:
0x0: {  	(pc) =	sbr.rel $0x88, $3  }
0x1: {  	(tag) =	ssettag $0x0;
	lr =	simm.s32 $0x1  }
0x2: {  	[smem:$0x3F9F] =	sst lr;
	_ =	strace $0xD0000000  }
0x3: {  	_ = 	snop  }
0x4: {  	_ = 	snop  }
0x5: {  	_ = 	snop  }
0x6: {  	_ = 	snop  }
0x7: {  	_ = 	snop  }
__scs_overlays_trampoline_lowered:
0x8: {  	[smem:$0x3FAE] =	sst s0  }
0x9: {  	[smem:$0x3FAF] =	sst s1  }
0xa: {  	[smem:$0x3FB0] =	sst s2  }
0xb: {  	[smem:$0x3FB1] =	sst s3  }
0xc: {  	[smem:$0x3FB2] =	sst s4  }
0xd: {  	[smem:$0x3FB3] =	sst s5  }
0xe: {  	[smem:$0x3FB4] =	sst s6  }
0xf: {  	[smem:$0x3FB5] =	sst s7  }
0x10: {  	[smem:$0x3FB6] =	sst s8  }
0x11: {  	[smem:$0x3FB7] =	sst s9;
	s0 =	simm.s32 @!p0 $0x0  }
0x12: {  	s1 =	sld [smem:$0x3F9D];
	s0 =	simm.s32 @p0 $0x1  }
0x13: {  	[smem:$0x3FB8] =	sst s0;
	s0 =	simm.s32 @!p1 $0x0  }
0x14: {  	s2 =	sld [smem:$0x3F9C];
	s0 =	simm.s32 @p1 $0x1  }
0x15: {  	[smem:$0x3FB9] =	sst s0;
	s0 =	simm.s32 @!p2 $0x0  }
0x16: {  	s3 =	sld [smem:$0x3FDB];
	s0 =	simm.s32 @p2 $0x1  }
0x17: {  	s4 =	simm.s32 $0x1BF5;
	[smem:$0x3FBB] =	sst s0  }
0x18: {  	s0 =	sld [smem:$0x3F9E];
	_ =	swait.ge [sflag:s4], $0x0  }
0x19: {  	s7 =	sld [smem:$0x3F9F]  }
0x1a: {  	s8 =	sadd.s32 $0xFFFFE003, lr  }
0x1b: {  	s9 =	sadd.s32 $0xFFFFFEF7, lr;
	s5 =	simm.s32 $0xFFFFFFFF;
	p2 =	slt.u32 s8, $0xFFFFF086  }
0x1c: {  	p1 =	slt.u32 s9, $0xF7A;
	s5 =	simm.s32 @!p2 $0x0  }
0x1d: {  	s5 =	simm.s32 @p1 $0x1;
	p0 =	seq.s32 s7, s2  }
0x1e: {  	s7 =	smul.u32 @!p0 $0xF7A, s2;
	p2 =	seq.s32 @!p0 s5, $0x0  }
0x1f: {  	s9 =	smul.u32 $0xF7A, s1;
	s8 =	simm.s32 @!p0 $0x1BF5;
	p2 =	por !p2, p0  }
0x20: {  	[sflag:s8] =	ssyncset.s32 @!p0 $0xFFFFF086;
	s6 =	sadd.s32 @!p0 s3, s7;
	s7 =	simm.s32 @!p0 $0x108  }
0x21: {  	s3 =	sadd.s32 s3, s9;
	s6 =	sadd.s32 @!p0 $0x88, s6;
	s7 =	simm.s32 @p2 $0x1082  }
0x22: {  	[simem:s7], [sflag:s8] =	dma.local @!p0 [hbm:s6], $0xF7A  }
0x23: {  	s9 =	sor.u32 $0xD0000000, s2;
	s6 =	simm.s32 $0x108;
	_ =	swait.ge @!p0 [sflag:s8], $0x0  }
0x24: {  	s3 =	sadd.s32 $0x88, s3;
	s6 =	simm.s32 @!p1 $0x1082;
	[sflag:s4] =	ssyncset.s32 $0xFFFFF086  }
0x25: {  	[simem:s6], [sflag:s4] =	dma.local [hbm:s3], $0xF7A  }
0x26: {  	[smem:$0x3F9F] =	sst s1;
	(tag) =	ssettag s2;
	_ =	strace s9  }
0x27: {  	s1 =	sld [smem:$0x3FAF]  }
0x28: {  	s2 =	sld [smem:$0x3FB0]  }
0x29: {  	s4 =	sld [smem:$0x3FB2]  }
0x2a: {  	p0 =	seq.s32 s5, $0x0;
	s5 =	sld [smem:$0x3FB3]  }
0x2b: {  	s6 =	sld [smem:$0x3FB4]  }
0x2c: {  	s7 =	sld [smem:$0x3FB5]  }
0x2d: {  	s3 =	simm.s32 $0x108;
	s8 =	sld [smem:$0x3FB6]  }
0x2e: {  	s3 =	simm.s32 @!p0 $0x1082;
	s9 =	sld [smem:$0x3FB7]  }
0x2f: {  	lr =	sadd.s32 s0, s3;
	s0 =	sld [smem:$0x3FAE]  }
0x30: {  	s3 =	sld [smem:$0x3FB1]  }
0x31: {  	[smem:$0x3FBA] =	sst s10  }
0x32: {  	s10 =	sld [smem:$0x3FB8];
	_ =	sdelay $0x3  }
0x33: {  	p0 =	seq.s32 s10, $0x1;
	s10 =	sld [smem:$0x3FBA];
	_ =	sdelay $0x3  }
0x34: {  	[smem:$0x3FBA] =	sst s10  }
0x35: {  	s10 =	sld [smem:$0x3FB9];
	_ =	sdelay $0x3  }
0x36: {  	p1 =	seq.s32 s10, $0x1;
	s10 =	sld [smem:$0x3FBA];
	_ =	sdelay $0x3  }
0x37: {  	[smem:$0x3FBA] =	sst s10  }
0x38: {  	s10 =	sld [smem:$0x3FBB]  }
0x39: {  	_ = 	snop;
	(pc) =	sbr.ind lr, $3  }
0x3a: {  	_ = 	snop  }
0x3b: {  	_ = 	snop  }
0x3c: {  	p2 =	seq.s32 s10, $0x1;
	s10 =	sld [smem:$0x3FBA]  }
0x3d: {  	_ =	shalt  }
0x3e: {  	_ =	shalt  }
0x3f: {  	_ =	shalt  }
0x40: {  	_ =	shalt  }
0x41: {  	_ =	shalt  }
0x42: {  	_ =	shalt  }
0x43: {  	_ =	shalt  }
0x44: {  	_ =	shalt  }
0x45: {  	_ =	shalt  }
0x46: {  	_ =	shalt  }
0x47: {  	_ =	shalt  }
0x48: {  	_ =	shalt  }
0x49: {  	_ =	shalt  }
0x4a: {  	_ =	shalt  }
0x4b: {  	_ =	shalt  }
0x4c: {  	_ =	shalt  }
0x4d: {  	_ =	shalt  }
0x4e: {  	_ =	shalt  }
0x4f: {  	_ =	shalt  }
0x50: {  	_ =	shalt  }
0x51: {  	_ =	shalt  }
0x52: {  	_ =	shalt  }
0x53: {  	_ =	shalt  }
0x54: {  	_ =	shalt  }
0x55: {  	_ =	shalt  }
0x56: {  	_ =	shalt  }
0x57: {  	_ =	shalt  }
0x58: {  	_ =	shalt  }
0x59: {  	_ =	shalt  }
0x5a: {  	_ =	shalt  }
0x5b: {  	_ =	shalt  }
0x5c: {  	_ =	shalt  }
0x5d: {  	_ =	shalt  }
0x5e: {  	_ =	shalt  }
0x5f: {  	_ =	shalt  }
0x60: {  	_ =	shalt  }
0x61: {  	_ =	shalt  }
0x62: {  	_ =	shalt  }
0x63: {  	_ =	shalt  }
0x64: {  	_ =	shalt  }
0x65: {  	_ =	shalt  }
0x66: {  	_ =	shalt  }
0x67: {  	_ =	shalt  }
0x68: {  	_ =	shalt  }
0x69: {  	_ =	shalt  }
0x6a: {  	_ =	shalt  }
0x6b: {  	_ =	shalt  }
0x6c: {  	_ =	shalt  }
0x6d: {  	_ =	shalt  }
0x6e: {  	_ =	shalt  }
0x6f: {  	_ =	shalt  }
0x70: {  	_ =	shalt  }
0x71: {  	_ =	shalt  }
0x72: {  	_ =	shalt  }
0x73: {  	_ =	shalt  }
0x74: {  	_ =	shalt  }
0x75: {  	_ =	shalt  }
0x76: {  	_ =	shalt  }
0x77: {  	_ =	shalt  }
0x78: {  	_ =	shalt  }
0x79: {  	_ =	shalt  }
0x7a: {  	_ =	shalt  }
0x7b: {  	_ =	shalt  }
0x7c: {  	_ =	shalt  }
0x7d: {  	_ =	shalt  }
0x7e: {  	_ =	shalt  }
0x7f: {  	_ =	shalt  }
0x80: {  	_ =	shalt  }
0x81: {  	_ =	shalt  }
0x82: {  	_ =	shalt  }
0x83: {  	_ =	shalt  }
0x84: {  	_ =	shalt  }
0x85: {  	_ =	shalt  }
0x86: {  	_ =	shalt  }
0x87: {  	_ =	shalt  }
.Lfunc_end0:
.L_simem_size_0:
called_computation.1_lowered:
.L_overlay_start_0:
0x88: {  	s2 =	sld [smem:$0x3FD9]  }
0x89: {  	s3 =	sld [smem:$0x3FFE];
	_ =	sdelay $0x1  }
0x8a: {  	s1 =	srdreg.scid  }
0x8b: {  	s0 =	sand.u32 $0x1, s1  }
0x8c: {  	s17 =	sshll.u32 s0, $0xA;
	s2 =	sadd.s32 s3, s2  }
0x8d: {  	s2 =	sadd.s32 s2, s17  }
0x8e: {  	[smem:$0x3FC6] =	sst s2  }
0x8f: {  	_ = 	snop  }
0x90: {  	s2 =	sld [smem:$0x3FC8]  }
0x91: {  	s18 =	sld [smem:$0x3FD0];
	(tm) =	ssettm $0x1  }
0x92: {  	s4 =	sld [smem:$0x3FFB];
	_ =	sdelay $0x3  }
0x93: {  	_ =	strace s4  }
0x94: {  	s4 =	sld [smem:$0x3FFC];
	_ =	sdelay $0x3  }
0x95: {  	_ =	strace s4  }
0x96: {  	s4 =	sld [smem:$0x3FFD];
	_ =	sdelay $0x3  }
0x97: {  	_ =	strace s4  }
0x98: {  	_ =	strace $0x8FFFFFFF  }
0x99: {  	s19 =	sld [smem:$0x3FDB];
	_ =	sdelay $0x1  }
0x9a: {  	s5 =	simm.s32 $_scs_section_size  }
0x9b: {  	s6 =	simm.s32 $_size__tile_overlayer_lowered;
	s7 =	simm.s32 $_tile_overlayer_lowered  }
0x9c: {  	s22 =	simm.s32 $0x1BFF;
	s21 =	sshll.u32 s7, $0x1;
	s4 =	sadd.s32 s5, s19  }
0x9d: {  	s8 =	simm.s32 $0x0;
	s20 =	sshll.u32 s6, $0x1;
	s6 =	sadd.s32 s21, s4  }
0x9e: {  	[timem:s8], [sflag:s22] =	dma.local [hbm:s6], s20  }
0x9f: {  	_ =	swait.ge [sflag:s22], s20  }
0xa0: {  	s5 =	ssub.s32 $0x0, s20;
	[sflag:s22] =	ssyncset.done $0x0  }
0xa1: {  	[sflag:s22] =	ssyncadd.s32 s5;
	_ =	sdelay $0x1  }
0xa2: {  	s23 =	simm.s32 $0x1B8B  }
0xa3: {  	_ =	swait.ge [sflag:s23], $0x1  }
0xa4: {  	[sflag:s23] =	ssyncset.done $0x0  }
0xa5: {  	s25 =	simm.s32 $0x1B8E;
	s24 =	sld [smem:$0x3FFE];
	[sflag:s23] =	ssyncadd.s32 $0xFFFFFFFF  }
0xa6: {  	s26 =	simm.s32 $execute0_lowered;
	[smem:$0x3FD2] =	sst s25  }
0xa7: {  	s6 =	sshll.u32 s26, $0x1;
	_ =	strace $0x80000046;
	[dreg:$0x1] =	wrdreg $0xFFFFFFFF  }
0xa8: {  	s28 =	simm.s32 $_size_execute0_lowered;
	s4 =	sadd.s32 s4, s6;
	[dreg:$0x0] =	wrdreg $0x0  }
0xa9: {  	s6 =	sshll.u32 s28, $0x1;
	[dreg:$0x2] =	wrdreg s4  }
0xaa: {  	[dreg:$0x3] =	wrdreg s6  }
0xab: {  	[dreg:$0x4] =	wrdreg $0xC0  }
0xac: {  	_ =	task [dreg:s8], $0x5FFFF  }
0xad: {  	[dreg:$0x1] =	wrdreg $0xFFFFFFFF  }
0xae: {  	[dreg:$0x0] =	wrdreg $0x60  }
0xaf: {  	[dreg:$0x2] =	wrdreg s24  }
0xb0: {  	[dreg:$0x3] =	wrdreg s2  }
0xb1: {  	[dreg:$0x4] =	wrdreg s18  }
0xb2: {  	[dreg:$0x5] =	wrdreg $0x9  }
0xb3: {  	_ =	task.clear_ibuf [dreg:s8], $0x6FFFF;
	_ =	strace $0x90000046  }
0xb4: {  	s29 =	simm.s32 $0x9;
	_ =	strace $0x80000048  }
0xb5: {  	_ =	swait.ge [sflag:s29], $0x1  }
0xb6: {  	[sflag:s29] =	ssyncadd.s32 $0xFFFFFFFF  }
0xb7: {  	_ =	strace $0x90000048  }
0xb8: {  	_ =	sfence  }
0xb9: {  	s30 =	sld [smem:$0x0];
	_ =	sdelay $0x2  }
0xba: {  	s31 =	sshll.u32 s1, $0xD;
	s1 =	sshrl.u32 s1, $0x2  }
0xbb: {  	s3 =	sand.u32 $0x4000, s31;
	s1 =	sadd.s32 s1, s30  }
0xbc: {  	s0 =	sor.u32 s3, s0;
	s1 =	sshll.u32 s1, $0x11  }
0xbd: {  	s0 =	sor.u32 s1, s0  }
0xbe: {  	s0 =	sadd.s32 $0x8F2B, s0  }
0xbf: {  	[sflag:s0] =	ssyncadd.remote.s32 $0x1  }
0xc0: {  	_ =	sfence.sel $0xFFFF  }
0xc1: {  	[dreg:$0x0] =	wrdreg $0xFFFFFFFF;
	(pc) =	sbr.abs _section_cstart, $3  }
0xc2: {  	[dreg:$0x1] =	wrdreg $0xFFFFFFFF  }
0xc3: {  	_ =	task.clear_ibuf [dreg:s8], $0x2FFFF;
	_ =	strace $0x9FFFFFFF  }
0xc4: {  	(tm) =	ssettm $0x7FFFFFFF  }
0xc5: {  	_ =	shalt  }
tec
execute0_lowered:
.L_overlay_start_1:
0x0: {  	(tag) =	ssettag $0x1  }
0x1: {  	s5 =	rddreg [dreg:$0x0]  }
0x2: {  	s0 =	srdreg.scid;
	s29 =	rddreg [dreg:$0x1]  }
0x3: {  	s2 =	stileid.u32;
	s3 =	rddreg [dreg:$0x2]  }
0x4: {  	s4 =	simm.s32 $0x0;
	s28 =	simm.s32 $0x1;
	s30 =	simm.s32 $0x320  }
0x5: {  	s31 =	simm.s32 $0xCE40;
	s0 =	sand.u32 $0x1, s0;
	s1 =	sshll.u32 s2, $0x1  }
0x6: {  	[smem:$0x7FF] =	sst s4;
	s5 =	sadd.s32 $0xF42C00, s5;
	s22 =	smul.u32 $0xC800, s2  }
0x7: {  	s1 =	sor.u32 s0, s1;
	s9 =	ssub.s32 $0x2, s0;
	s0 =	smul.u32 $0x6400, s0  }
0x8: {  	s21 =	sadd.s32 $0x640, s3;
	s6 =	smul.u32 $0x6400, s1;
	s12 =	sshrl.u32 s9, $0x1  }
0x9: {  	_ =	strace $0x80000047;
	s1 =	smul.u32 $0x32000, s1;
	s9 =	ssub.s32 s9, s12  }
0xa: {  	s0 =	sadd.s32 s0, s22;
	s12 =	simm.s32 $0x4;
	s7 =	sor.u32 $0x190, s6  }
0xb: {  	s11 =	sadd.s32 $0x60E0, s6;
	s19 =	sshrl.u32 s6, $0x3;
	s6 =	sadd.s32 $0x6270, s6  }
0xc: {  	s20 =	sadd.s32 s3, s1;
	s1 =	sadd.s32 s1, s21;
	s8 =	smulhi.u32 $0x147AE15, s7  }
0xd: {  	s22 =	sor.u32 $0x320, s0;
	s9 =	smax.u32 s9, $0x1;
	s11 =	smulhi.u32 $0x147AE15, s11  }
0xe: {  	s7 =	sshrl.u32 s7, $0x3;
	s6 =	smulhi.u32 $0x147AE15, s6;
	[dreg:$0x9] =	wrdreg s20  }
0xf: {  	s15 =	sadd.s32 s29, s19;
	[dreg:$0xa] =	wrdreg s1;
	s10 =	smul.u32 $0x640, s8  }
0x10: {  	s20 =	sadd.s32 $0x4B0, s0;
	[dreg:$0x13] =	wrdreg s9;
	s8 =	smul.u32 $0x3200, s8  }
0x11: {  	s9 =	simm.s32 $0x3;
	s7 =	sadd.s32 s29, s7;
	s13 =	smul.u32 $0x640, s11  }
0x12: {  	s23 =	sadd.s32 $0x64, s15;
	[dreg:$0x7] =	wrdreg s15;
	s26 =	smul.u32 $0x3200, s11  }
0x13: {  	s14 =	sadd.s32 $0x96, s15;
	[dreg:$0x8] =	wrdreg s7;
	s2 =	smul.u32 $0x640, s6  }
0x14: {  	s15 =	sadd.s32 $0x7D0, s0;
	[dreg:$0xb] =	wrdreg s23;
	s6 =	smul.u32 $0x3200, s6  }
0x15: {  	[dreg:$0xe] =	wrdreg s14;
	s17 =	smulhi.u32 $0x147AE15, s15;
	s23 =	sadd.s32 $0x960, s0  }
0x16: {  	s11 =	simm.s32 $0x5;
	s14 =	simm.s32 $0x6;
	s24 =	sadd.s32 s3, s10  }
0x17: {  	s25 =	sshrl.u32 s8, $0x3;
	s16 =	sadd.s32 s3, s13;
	s19 =	smul.u32 $0x640, s17  }
0x18: {  	s8 =	sshrl.u32 s26, $0x3;
	s18 =	sshrl.u32 s6, $0x3;
	s6 =	smulhi.u32 $0x147AE15, s20  }
0x19: {  	s10 =	simm.s32 $0x10040;
	s13 =	simm.s32 $0x16440;
	[dreg:$0xc] =	wrdreg s24  }
0x1a: {  	s17 =	simm.s32 $0x0;
	s1 =	sadd.s32 s25, s21;
	[dreg:$0xf] =	wrdreg s16  }
0x1b: {  	s8 =	sadd.s32 s8, s21;
	s25 =	sshrl.u32 s15, $0x3;
	s15 =	simm.s32 $0x7  }
0x1c: {  	s16 =	simm.s32 $0x8;
	[dreg:$0x10] =	wrdreg s8;
	s8 =	smulhi.u32 $0x147AE15, s22  }
0x1d: {  	[dreg:$0xd] =	wrdreg s1;
	s1 =	sadd.s32 s3, s2;
	s6 =	smul.u32 $0x640, s6  }
0x1e: {  	s22 =	simm.s32 $0x9C40;
	[dreg:$0x11] =	wrdreg s1;
	s1 =	sadd.s32 s18, s21  }
0x1f: {  	s21 =	sadd.s32 $0xAF0, s0;
	s0 =	sadd.s32 $0x640, s0;
	[dreg:$0x12] =	wrdreg s1  }
0x20: {  	s7 =	sshrl.u32 s21, $0x3;
	s1 =	sadd.s32 s19, s3;
	[dreg:$0x17] =	wrdreg s0  }
0x21: {  	s8 =	smul.u32 $0x640, s8;
	s24 =	sadd.s32 s6, s3;
	[dreg:$0x4] =	wrdreg s1  }
0x22: {  	s6 =	sadd.s32 s25, s29;
	s25 =	simm.s32 $0x640;
	[dreg:$0x5] =	wrdreg s24  }
0x23: {  	s0 =	simm.s32 $0x3840;
	s7 =	sadd.s32 s7, s29;
	[dreg:$0x16] =	wrdreg s6  }
0x24: {  	s24 =	simm.s32 $0x190;
	s1 =	simm.s32 $0x2;
	[dreg:$0x14] =	wrdreg s7  }
0x25: {  	s7 =	sshrl.u32 s23, $0x3;
	s26 =	sadd.s32 s8, s3;
	s23 =	simm.s32 $0x9  }
0x26: {  	s8 =	simm.s32 $0x13240;
	s7 =	sadd.s32 s7, s29;
	[dreg:$0x6] =	wrdreg s26  }
0x27: {  	s26 =	simm.s32 $0x6A40;
	[dreg:$0x15] =	wrdreg s7;
	s7 =	simm.s32 $0x4B0  }
.LBB2_1:
0x28: {  	[dreg:$0x18] =	wrdreg s17  }
0x29: {  	s6 =	rddreg [dreg:$0x7]  }
0x2a: {  	[tilespmem:s4], [sflag:$0x9] =	stream.linear.gather [hbm4b:s6+s4], $0x190, $0x38;
	[tilespmem:$0x19640] =	vst v63  }
0x2b: {  	_ =	swait.ge [sflag:s23], $0x190  }
0x2c: {  	[sflag:s23] =	ssyncset.done $0x0  }
0x2d: {  	[sflag:s23] =	ssyncadd.s32 $0xFFFFFE70  }
0x2e: {  	[tilespmem:s25], [sflag:$0x1] =	stream.indirect.gather [hbm4b:s5+s24], $0x40, s4, s24, $0xb8;
	[tilespmem:$0x19640] =	vst v63  }
0x2f: {  	s2 =	rddreg [dreg:$0x8]  }
0x30: {  	[tilespmem:s24], [sflag:$0x9] =	stream.linear.gather [hbm4b:s2+s4], $0x190, $0x38;
	[tilespmem:$0x19640] =	vst v63  }
0x31: {  	_ =	swait.ge [sflag:s23], $0x190  }
0x32: {  	[sflag:s23] =	ssyncset.done $0x0  }
0x33: {  	[sflag:s23] =	ssyncadd.s32 $0xFFFFFE70  }
0x34: {  	[tilespmem:s26], [sflag:$0x2] =	stream.indirect.gather [hbm4b:s5+s24], $0x40, s24, s24, $0xb8;
	[tilespmem:$0x19640] =	vst v63  }
0x35: {  	_ =	swait.ge [sflag:s28], $0x6400  }
0x36: {  	[sflag:s28] =	ssyncset.done $0x0  }
0x37: {  	s17 =	rddreg [dreg:$0x9];
	[sflag:s28] =	ssyncadd.s32 $0xFFFF9C00  }
0x38: {  	[hbm4b:s17+s4] =	stream.linear.scatter [tilespmem:s25], [sflag:$0x5], $0x3200, $0x38;
	[tilespmem:$0x19640] =	vst v63  }
0x39: {  	s18 =	rddreg [dreg:$0xa]  }
0x3a: {  	[hbm4b:s18+s4] =	stream.linear.scatter [tilespmem:s0], [sflag:$0x5], $0x3200, $0x38;
	[tilespmem:$0x19640] =	vst v63  }
0x3b: {  	s19 =	rddreg [dreg:$0xb]  }
0x3c: {  	[tilespmem:s30], [sflag:$0x9] =	stream.linear.gather [hbm4b:s19+s4], $0x190, $0x38;
	[tilespmem:$0x19640] =	vst v63  }
0x3d: {  	_ =	swait.ge [sflag:s23], $0x190  }
0x3e: {  	[sflag:s23] =	ssyncset.done $0x0  }
0x3f: {  	[sflag:s23] =	ssyncadd.s32 $0xFFFFFE70  }
0x40: {  	[tilespmem:s31], [sflag:$0x3] =	stream.indirect.gather [hbm4b:s5+s24], $0x40, s30, s24, $0xb8;
	[tilespmem:$0x19640] =	vst v63  }
0x41: {  	_ =	swait.ge [sflag:s1], $0x6400  }
0x42: {  	[sflag:s1] =	ssyncset.done $0x0  }
0x43: {  	s20 =	rddreg [dreg:$0xc];
	[sflag:s1] =	ssyncadd.s32 $0xFFFF9C00  }
0x44: {  	[hbm4b:s20+s4] =	stream.linear.scatter [tilespmem:s26], [sflag:$0x6], $0x3200, $0x38;
	[tilespmem:$0x19640] =	vst v63  }
0x45: {  	s21 =	rddreg [dreg:$0xd]  }
0x46: {  	[hbm4b:s21+s4] =	stream.linear.scatter [tilespmem:s22], [sflag:$0x6], $0x3200, $0x38;
	[tilespmem:$0x19640] =	vst v63  }
0x47: {  	s2 =	rddreg [dreg:$0xe]  }
0x48: {  	[tilespmem:s7], [sflag:$0x9] =	stream.linear.gather [hbm4b:s2+s4], $0x190, $0x38;
	[tilespmem:$0x19640] =	vst v63  }
0x49: {  	_ =	swait.ge [sflag:s23], $0x190  }
0x4a: {  	[sflag:s23] =	ssyncset.done $0x0  }
0x4b: {  	[sflag:s23] =	ssyncadd.s32 $0xFFFFFE70  }
0x4c: {  	[tilespmem:s8], [sflag:$0x4] =	stream.indirect.gather [hbm4b:s5+s24], $0x40, s7, s24, $0xb8;
	[tilespmem:$0x19640] =	vst v63  }
0x4d: {  	_ =	swait.ge [sflag:s9], $0x6400  }
0x4e: {  	s6 =	rddreg [dreg:$0x6];
	[sflag:s9] =	ssyncset.done $0x0  }
0x4f: {  	[sflag:s9] =	ssyncadd.s32 $0xFFFF9C00;
	s17 =	sadd.s32 $0x0, s6  }
0x50: {  	[hbm4b:s17+s4] =	stream.linear.scatter [tilespmem:s31], [sflag:$0x7], $0x3200, $0x38;
	[tilespmem:$0x19640] =	vst v63  }
0x51: {  	s17 =	sadd.s32 $0x640, s17  }
0x52: {  	[hbm4b:s17+s4] =	stream.linear.scatter [tilespmem:s10], [sflag:$0x7], $0x3200, $0x38;
	[tilespmem:$0x19640] =	vst v63  }
0x53: {  	_ =	swait.ge [sflag:s11], $0x3200  }
0x54: {  	[sflag:s11] =	ssyncset.done $0x0  }
0x55: {  	[sflag:s11] =	ssyncadd.s32 $0xFFFFCE00  }
0x56: {  	_ =	swait.ge [sflag:s11], $0x3200  }
0x57: {  	s19 =	rddreg [dreg:$0x17]  }
0x58: {  	[sflag:s11] =	ssyncset.done $0x0;
	s18 =	sshrl.u32 s19, $0x3  }
0x59: {  	[sflag:s11] =	ssyncadd.s32 $0xFFFFCE00;
	s17 =	sadd.s32 s29, s18  }
0x5a: {  	[tilespmem:s4], [sflag:$0x9] =	stream.linear.gather [hbm4b:s17+s4], $0x190, $0x38;
	[tilespmem:$0x19640] =	vst v63  }
0x5b: {  	_ =	swait.ge [sflag:s23], $0x190  }
0x5c: {  	[sflag:s23] =	ssyncset.done $0x0  }
0x5d: {  	[sflag:s23] =	ssyncadd.s32 $0xFFFFFE70  }
0x5e: {  	[tilespmem:s25], [sflag:$0x1] =	stream.indirect.gather [hbm4b:s5+s24], $0x40, s4, s24, $0xb8;
	[tilespmem:$0x19640] =	vst v63  }
0x5f: {  	_ =	swait.ge [sflag:s12], $0x6400  }
0x60: {  	s20 =	rddreg [dreg:$0x5];
	[sflag:s12] =	ssyncset.done $0x0  }
0x61: {  	[sflag:s12] =	ssyncadd.s32 $0xFFFF9C00;
	s17 =	sadd.s32 $0x0, s20  }
0x62: {  	[hbm4b:s17+s4] =	stream.linear.scatter [tilespmem:s8], [sflag:$0x8], $0x3200, $0x38;
	[tilespmem:$0x19640] =	vst v63  }
0x63: {  	s17 =	sadd.s32 $0x640, s17  }
0x64: {  	[hbm4b:s17+s4] =	stream.linear.scatter [tilespmem:s13], [sflag:$0x8], $0x3200, $0x38;
	[tilespmem:$0x19640] =	vst v63  }
0x65: {  	_ =	swait.ge [sflag:s14], $0x3200  }
0x66: {  	[sflag:s14] =	ssyncset.done $0x0  }
0x67: {  	[sflag:s14] =	ssyncadd.s32 $0xFFFFCE00  }
0x68: {  	_ =	swait.ge [sflag:s14], $0x3200  }
0x69: {  	[sflag:s14] =	ssyncset.done $0x0  }
0x6a: {  	s21 =	smulhi.u32 $0x51EB851F, s19;
	s2 =	rddreg [dreg:$0x16];
	[sflag:s14] =	ssyncadd.s32 $0xFFFFCE00  }
0x6b: {  	[tilespmem:s24], [sflag:$0x9] =	stream.linear.gather [hbm4b:s2+s4], $0x190, $0x38;
	[tilespmem:$0x19640] =	vst v63  }
0x6c: {  	_ =	swait.ge [sflag:s23], $0x190  }
0x6d: {  	s17 =	sshrl.u32 s21, $0x6;
	[sflag:s23] =	ssyncset.done $0x0  }
0x6e: {  	s18 =	smul.u32 $0x3200, s17;
	[sflag:s23] =	ssyncadd.s32 $0xFFFFFE70  }
0x6f: {  	[tilespmem:s26], [sflag:$0x2] =	stream.indirect.gather [hbm4b:s5+s24], $0x40, s24, s24, $0xb8;
	[tilespmem:$0x19640] =	vst v63  }
0x70: {  	s17 =	smul.u32 $0x640, s17;
	_ =	swait.ge [sflag:s28], $0x6400  }
0x71: {  	s18 =	sshrl.u32 s18, $0x3;
	[sflag:s28] =	ssyncset.done $0x0  }
0x72: {  	s17 =	sadd.s32 s3, s17;
	s18 =	sadd.s32 s3, s18;
	[sflag:s28] =	ssyncadd.s32 $0xFFFF9C00  }
0x73: {  	[hbm4b:s17+s4] =	stream.linear.scatter [tilespmem:s25], [sflag:$0x5], $0x3200, $0x38;
	[tilespmem:$0x19640] =	vst v63  }
0x74: {  	s18 =	sadd.s32 $0x640, s18  }
0x75: {  	[hbm4b:s18+s4] =	stream.linear.scatter [tilespmem:s0], [sflag:$0x5], $0x3200, $0x38;
	[tilespmem:$0x19640] =	vst v63  }
0x76: {  	_ =	swait.ge [sflag:s15], $0x3200  }
0x77: {  	[sflag:s15] =	ssyncset.done $0x0  }
0x78: {  	[sflag:s15] =	ssyncadd.s32 $0xFFFFCE00  }
0x79: {  	_ =	swait.ge [sflag:s15], $0x3200  }
0x7a: {  	[sflag:s15] =	ssyncset.done $0x0  }
0x7b: {  	s21 =	rddreg [dreg:$0x15];
	[sflag:s15] =	ssyncadd.s32 $0xFFFFCE00  }
0x7c: {  	[tilespmem:s30], [sflag:$0x9] =	stream.linear.gather [hbm4b:s21+s4], $0x190, $0x38;
	[tilespmem:$0x19640] =	vst v63  }
0x7d: {  	_ =	swait.ge [sflag:s23], $0x190  }
0x7e: {  	[sflag:s23] =	ssyncset.done $0x0  }
0x7f: {  	[sflag:s23] =	ssyncadd.s32 $0xFFFFFE70  }
0x80: {  	[tilespmem:s31], [sflag:$0x3] =	stream.indirect.gather [hbm4b:s5+s24], $0x40, s30, s24, $0xb8;
	[tilespmem:$0x19640] =	vst v63  }
0x81: {  	_ =	swait.ge [sflag:s1], $0x6400  }
0x82: {  	s20 =	rddreg [dreg:$0x4];
	[sflag:s1] =	ssyncset.done $0x0  }
0x83: {  	[sflag:s1] =	ssyncadd.s32 $0xFFFF9C00;
	s17 =	sadd.s32 $0x0, s20  }
0x84: {  	[hbm4b:s17+s4] =	stream.linear.scatter [tilespmem:s26], [sflag:$0x6], $0x3200, $0x38;
	[tilespmem:$0x19640] =	vst v63  }
0x85: {  	s17 =	sadd.s32 $0x640, s17  }
0x86: {  	[hbm4b:s17+s4] =	stream.linear.scatter [tilespmem:s22], [sflag:$0x6], $0x3200, $0x38;
	[tilespmem:$0x19640] =	vst v63  }
0x87: {  	_ =	swait.ge [sflag:s16], $0x3200  }
0x88: {  	[sflag:s16] =	ssyncset.done $0x0  }
0x89: {  	[sflag:s16] =	ssyncadd.s32 $0xFFFFCE00  }
0x8a: {  	s19 =	sadd.s32 $0x640, s19;
	_ =	swait.ge [sflag:s16], $0x3200  }
0x8b: {  	s0 =	simm.s32 $0x3840;
	s18 =	sadd.s32 $0xC8, s2;
	[sflag:s16] =	ssyncset.done $0x0  }
0x8c: {  	s17 =	simm.s32 $0x3200;
	s20 =	rddreg [dreg:$0x14];
	[sflag:s16] =	ssyncadd.s32 $0xFFFFCE00  }
0x8d: {  	[tilespmem:s7], [sflag:$0x9] =	stream.linear.gather [hbm4b:s20+s4], $0x190, $0x38;
	[tilespmem:$0x19640] =	vst v63  }
.LBB2_2:
0x8e: {  	_ =	swait.ge [sflag:s23], $0x190  }
0x8f: {  	[sflag:s23] =	ssyncset.done $0x0  }
0x90: {  	[sflag:s23] =	ssyncadd.s32 $0xFFFFFE70  }
0x91: {  	[tilespmem:s8], [sflag:$0x4] =	stream.indirect.gather [hbm4b:s5+s24], $0x40, s7, s24, $0xb8;
	[tilespmem:$0x19640] =	vst v63  }
0x92: {  	_ =	swait.ge [sflag:s9], $0x6400  }
0x93: {  	s22 =	smov.u32 s17;
	s6 =	rddreg [dreg:$0x6];
	[sflag:s9] =	ssyncset.done $0x0  }
0x94: {  	[sflag:s9] =	ssyncadd.s32 $0xFFFF9C00;
	s6 =	sadd.s32 s22, s6  }
0x95: {  	[hbm4b:s6+s4] =	stream.linear.scatter [tilespmem:s31], [sflag:$0x7], $0x3200, $0x38;
	[tilespmem:$0x19640] =	vst v63  }
0x96: {  	s6 =	sadd.s32 $0x640, s6  }
0x97: {  	[hbm4b:s6+s4] =	stream.linear.scatter [tilespmem:s10], [sflag:$0x7], $0x3200, $0x38;
	[tilespmem:$0x19640] =	vst v63  }
0x98: {  	_ =	swait.ge [sflag:s11], $0x3200  }
0x99: {  	[sflag:s11] =	ssyncset.done $0x0  }
0x9a: {  	[sflag:s11] =	ssyncadd.s32 $0xFFFFCE00  }
0x9b: {  	_ =	swait.ge [sflag:s11], $0x3200  }
0x9c: {  	s2 =	sshrl.u32 s19, $0x3;
	[sflag:s11] =	ssyncset.done $0x0  }
0x9d: {  	s6 =	sadd.s32 s29, s2;
	[sflag:s11] =	ssyncadd.s32 $0xFFFFCE00  }
0x9e: {  	[tilespmem:s4], [sflag:$0x9] =	stream.linear.gather [hbm4b:s6+s4], $0x190, $0x38;
	[tilespmem:$0x19640] =	vst v63  }
0x9f: {  	_ =	swait.ge [sflag:s23], $0x190  }
0xa0: {  	[sflag:s23] =	ssyncset.done $0x0  }
0xa1: {  	[sflag:s23] =	ssyncadd.s32 $0xFFFFFE70  }
0xa2: {  	[tilespmem:s25], [sflag:$0x1] =	stream.indirect.gather [hbm4b:s5+s24], $0x40, s4, s24, $0xb8;
	[tilespmem:$0x19640] =	vst v63  }
0xa3: {  	_ =	swait.ge [sflag:s12], $0x6400  }
0xa4: {  	s2 =	rddreg [dreg:$0x5];
	[sflag:s12] =	ssyncset.done $0x0  }
0xa5: {  	[sflag:s12] =	ssyncadd.s32 $0xFFFF9C00;
	s6 =	sadd.s32 s22, s2  }
0xa6: {  	[hbm4b:s6+s4] =	stream.linear.scatter [tilespmem:s8], [sflag:$0x8], $0x3200, $0x38;
	[tilespmem:$0x19640] =	vst v63  }
0xa7: {  	s6 =	sadd.s32 $0x640, s6  }
0xa8: {  	[hbm4b:s6+s4] =	stream.linear.scatter [tilespmem:s13], [sflag:$0x8], $0x3200, $0x38;
	[tilespmem:$0x19640] =	vst v63  }
0xa9: {  	_ =	swait.ge [sflag:s14], $0x3200  }
0xaa: {  	[sflag:s14] =	ssyncset.done $0x0  }
0xab: {  	[sflag:s14] =	ssyncadd.s32 $0xFFFFCE00  }
0xac: {  	_ =	swait.ge [sflag:s14], $0x3200  }
0xad: {  	[sflag:s14] =	ssyncset.done $0x0  }
0xae: {  	s2 =	smulhi.u32 $0x51EB851F, s19;
	[sflag:s14] =	ssyncadd.s32 $0xFFFFCE00  }
0xaf: {  	[tilespmem:s24], [sflag:$0x9] =	stream.linear.gather [hbm4b:s18+s4], $0x190, $0x38;
	[tilespmem:$0x19640] =	vst v63  }
0xb0: {  	s6 =	sshrl.u32 s2, $0x6;
	_ =	swait.ge [sflag:s23], $0x190  }
0xb1: {  	s2 =	smul.u32 $0x640, s6;
	[sflag:s23] =	ssyncset.done $0x0  }
0xb2: {  	s6 =	smul.u32 $0x3200, s6;
	[sflag:s23] =	ssyncadd.s32 $0xFFFFFE70  }
0xb3: {  	[tilespmem:s26], [sflag:$0x2] =	stream.indirect.gather [hbm4b:s5+s24], $0x40, s24, s24, $0xb8;
	[tilespmem:$0x19640] =	vst v63  }
0xb4: {  	_ =	swait.ge [sflag:s28], $0x6400  }
0xb5: {  	s6 =	sshrl.u32 s6, $0x3;
	[sflag:s28] =	ssyncset.done $0x0  }
0xb6: {  	s2 =	sadd.s32 s3, s2;
	s6 =	sadd.s32 s3, s6;
	[sflag:s28] =	ssyncadd.s32 $0xFFFF9C00  }
0xb7: {  	[hbm4b:s2+s4] =	stream.linear.scatter [tilespmem:s25], [sflag:$0x5], $0x3200, $0x38;
	[tilespmem:$0x19640] =	vst v63  }
0xb8: {  	s6 =	sadd.s32 $0x640, s6  }
0xb9: {  	[hbm4b:s6+s4] =	stream.linear.scatter [tilespmem:s0], [sflag:$0x5], $0x3200, $0x38;
	[tilespmem:$0x19640] =	vst v63  }
0xba: {  	_ =	swait.ge [sflag:s15], $0x3200  }
0xbb: {  	[sflag:s15] =	ssyncset.done $0x0  }
0xbc: {  	[sflag:s15] =	ssyncadd.s32 $0xFFFFCE00  }
0xbd: {  	_ =	swait.ge [sflag:s15], $0x3200  }
0xbe: {  	[sflag:s15] =	ssyncset.done $0x0  }
0xbf: {  	s21 =	sadd.s32 $0xC8, s21;
	[sflag:s15] =	ssyncadd.s32 $0xFFFFCE00  }
0xc0: {  	[tilespmem:s30], [sflag:$0x9] =	stream.linear.gather [hbm4b:s21+s4], $0x190, $0x38;
	[tilespmem:$0x19640] =	vst v63  }
0xc1: {  	_ =	swait.ge [sflag:s23], $0x190  }
0xc2: {  	[sflag:s23] =	ssyncset.done $0x0  }
0xc3: {  	[sflag:s23] =	ssyncadd.s32 $0xFFFFFE70  }
0xc4: {  	[tilespmem:s31], [sflag:$0x3] =	stream.indirect.gather [hbm4b:s5+s24], $0x40, s30, s24, $0xb8;
	[tilespmem:$0x19640] =	vst v63  }
0xc5: {  	_ =	swait.ge [sflag:s1], $0x6400  }
0xc6: {  	s6 =	rddreg [dreg:$0x4];
	[sflag:s1] =	ssyncset.done $0x0  }
0xc7: {  	[sflag:s1] =	ssyncadd.s32 $0xFFFF9C00;
	s2 =	sadd.s32 s22, s6  }
0xc8: {  	[hbm4b:s2+s4] =	stream.linear.scatter [tilespmem:s26], [sflag:$0x6], $0x3200, $0x38;
	[tilespmem:$0x19640] =	vst v63  }
0xc9: {  	s22 =	simm.s32 $0x9C40;
	s2 =	sadd.s32 $0x640, s2  }
0xca: {  	[hbm4b:s2+s4] =	stream.linear.scatter [tilespmem:s22], [sflag:$0x6], $0x3200, $0x38;
	[tilespmem:$0x19640] =	vst v63  }
0xcb: {  	_ =	swait.ge [sflag:s16], $0x3200  }
0xcc: {  	p0 =	sne.s32 s17, $0x2BC00;
	[sflag:s16] =	ssyncset.done $0x0  }
.Ltmp0:
0xcd: {  	[sflag:s16] =	ssyncadd.s32 $0xFFFFCE00;
	(pc) =	sbr.rel @p0 .LBB2_2-.Ltmp0, $4  }
0xce: {  	_ =	swait.ge [sflag:s16], $0x3200  }
0xcf: {  	s20 =	sadd.s32 $0xC8, s20;
	s17 =	sadd.s32 $0x3200, s17;
	[sflag:s16] =	ssyncset.done $0x0  }
0xd0: {  	s19 =	sadd.s32 $0x640, s19;
	s18 =	sadd.s32 $0xC8, s18;
	[sflag:s16] =	ssyncadd.s32 $0xFFFFCE00  }
0xd1: {  	[tilespmem:s7], [sflag:$0x9] =	stream.linear.gather [hbm4b:s20+s4], $0x190, $0x38;
	[tilespmem:$0x19640] =	vst v63  }
0xd2: {  	_ =	swait.ge [sflag:s23], $0x190  }
0xd3: {  	[sflag:s23] =	ssyncset.done $0x0  }
0xd4: {  	[sflag:s23] =	ssyncadd.s32 $0xFFFFFE70  }
0xd5: {  	[tilespmem:s8], [sflag:$0x4] =	stream.indirect.gather [hbm4b:s5+s24], $0x40, s7, s24, $0xb8;
	[tilespmem:$0x19640] =	vst v63  }
0xd6: {  	_ =	swait.ge [sflag:s9], $0x6400  }
0xd7: {  	[sflag:s9] =	ssyncset.done $0x0  }
0xd8: {  	s6 =	rddreg [dreg:$0xf];
	[sflag:s9] =	ssyncadd.s32 $0xFFFF9C00  }
0xd9: {  	[hbm4b:s6+s4] =	stream.linear.scatter [tilespmem:s31], [sflag:$0x7], $0x3200, $0x38;
	[tilespmem:$0x19640] =	vst v63  }
0xda: {  	s18 =	rddreg [dreg:$0x10]  }
0xdb: {  	[hbm4b:s18+s4] =	stream.linear.scatter [tilespmem:s10], [sflag:$0x7], $0x3200, $0x38;
	[tilespmem:$0x19640] =	vst v63  }
0xdc: {  	_ =	swait.ge [sflag:s12], $0x6400  }
0xdd: {  	[sflag:s12] =	ssyncset.done $0x0  }
0xde: {  	s19 =	rddreg [dreg:$0x11];
	[sflag:s12] =	ssyncadd.s32 $0xFFFF9C00  }
0xdf: {  	[hbm4b:s19+s4] =	stream.linear.scatter [tilespmem:s8], [sflag:$0x8], $0x3200, $0x38;
	[tilespmem:$0x19640] =	vst v63  }
0xe0: {  	s20 =	rddreg [dreg:$0x12]  }
0xe1: {  	[hbm4b:s20+s4] =	stream.linear.scatter [tilespmem:s13], [sflag:$0x8], $0x3200, $0x38;
	[tilespmem:$0x19640] =	vst v63  }
0xe2: {  	_ =	swait.ge [sflag:s11], $0x3200  }
0xe3: {  	[sflag:s11] =	ssyncset.done $0x0  }
0xe4: {  	[sflag:s11] =	ssyncadd.s32 $0xFFFFCE00  }
0xe5: {  	_ =	swait.ge [sflag:s11], $0x3200  }
0xe6: {  	[sflag:s11] =	ssyncset.done $0x0  }
0xe7: {  	[sflag:s11] =	ssyncadd.s32 $0xFFFFCE00  }
0xe8: {  	_ =	swait.ge [sflag:s14], $0x3200  }
0xe9: {  	[sflag:s14] =	ssyncset.done $0x0  }
0xea: {  	[sflag:s14] =	ssyncadd.s32 $0xFFFFCE00  }
0xeb: {  	_ =	swait.ge [sflag:s14], $0x3200  }
0xec: {  	[sflag:s14] =	ssyncset.done $0x0  }
0xed: {  	[sflag:s14] =	ssyncadd.s32 $0xFFFFCE00  }
0xee: {  	_ =	swait.ge [sflag:s15], $0x3200  }
0xef: {  	[sflag:s15] =	ssyncset.done $0x0  }
0xf0: {  	[sflag:s15] =	ssyncadd.s32 $0xFFFFCE00  }
0xf1: {  	_ =	swait.ge [sflag:s15], $0x3200  }
0xf2: {  	[sflag:s15] =	ssyncset.done $0x0  }
0xf3: {  	[sflag:s15] =	ssyncadd.s32 $0xFFFFCE00  }
0xf4: {  	_ =	swait.ge [sflag:s16], $0x3200  }
0xf5: {  	[sflag:s16] =	ssyncset.done $0x0  }
0xf6: {  	[sflag:s16] =	ssyncadd.s32 $0xFFFFCE00  }
0xf7: {  	_ =	swait.ge [sflag:s16], $0x3200  }
0xf8: {  	s17 =	rddreg [dreg:$0x18]  }
0xf9: {  	s21 =	rddreg [dreg:$0x13];
	s17 =	sadd.s32 $0x1, s17  }
0xfa: {  	p0 =	sne.s32 s17, s21  }
.Ltmp1:
0xfb: {  	_ = 	snop;
	(pc) =	sbr.rel @p0 .LBB2_1-.Ltmp1, $3  }
0xfc: {  	_ =	sdelay $0x1  }
0xfd: {  	[sflag:s16] =	ssyncset.done $0x0  }
0xfe: {  	s0 =	simm.s32 $0x3840;
	[sflag:s16] =	ssyncadd.s32 $0xFFFFCE00  }
0xff: {  	_ =	sfence.sel $0x180000  }
0x100: {  	[bflag:$0x0] =	sbarrier.arrive $0xFFFF  }
0x101: {  	_ =	strace $0x90000047  }
0x102: {  	s0 =	stileid.u32;
	[bflag:$0x2] =	sbarrier.arrive $0xFFFF  }
0x103: {  	p0 =	sne.s32 s0, $0x0;
	s0 =	rddreg [dreg:$0x3]  }
0x104: {  	s0 =	sadd.s32 @!p0 $0x100000, s0  }
0x105: {  	[sflag:s0] =	ssyncadd.tile.s32 @!p0 $0x1;
	_ =	shalt  }
.Lfunc_end2:
_tile_overlayer_lowered:
.L_overlay_start_2:
0x106: {  	(tag) =	ssettag $0x2  }
0x107: {  	s0 =	rddreg [dreg:$0x0];
	s2 =	stileid.u32  }
0x108: {  	s1 =	rddreg [dreg:$0x1];
	p0 =	sne.s32 s2, $0x0  }
0x109: {  	s3 =	rddreg [dreg:$0x2];
	[bflag:$0x3] =	sbarrier.arrive $0xFFFF;
	s2 =	simm.s32 @!p0 $0x1C09  }
0x10a: {  	[timem:s3], [sflag:s2] =	dma.local @!p0 [hbm:s0], s1  }
0x10b: {  	s0 =	simm.s32 @!p0 $0x9  }
0x10c: {  	_ =	swait.ge @!p0 [sflag:s0], s1  }
0x10d: {  	s1 =	ssub.s32 @!p0 $0x0, s1;
	[sflag:s0] =	ssyncset.done @!p0 $0x0  }
0x10e: {  	[sflag:s0] =	ssyncadd.s32 @!p0 s1  }
0x10f: {  	[bflag:$0x3] =	sbarrier.arrive $0xFFFF  }
0x110: {  	_ =	shalt  }

// kernel: sparse-core-data-format-call.cloned.1.call-start
scs
called_computation_lowered:
.L_overlay_start_0:
0x0: {  	s2 =	sld [smem:$0x3FD9]  }
0x1: {  	s3 =	sld [smem:$0x3FFE];
	_ =	sdelay $0x1  }
0x2: {  	s1 =	srdreg.scid  }
0x3: {  	s0 =	sand.u32 $0x1, s1  }
0x4: {  	s18 =	sshll.u32 s0, $0xA;
	s2 =	sadd.s32 s3, s2  }
0x5: {  	s2 =	sadd.s32 s2, s18  }
0x6: {  	[smem:$0x3FC6] =	sst s2  }
0x7: {  	_ = 	snop  }
0x8: {  	s2 =	sld [smem:$0x3FD0];
	(tm) =	ssettm $0x1  }
0x9: {  	s19 =	sld [smem:$0x3FFB];
	_ =	sdelay $0x3  }
0xa: {  	_ =	strace s19  }
0xb: {  	s3 =	sld [smem:$0x3FFC];
	_ =	sdelay $0x3  }
0xc: {  	_ =	strace s3  }
0xd: {  	s3 =	sld [smem:$0x3FFD];
	_ =	sdelay $0x3  }
0xe: {  	_ =	strace s3  }
0xf: {  	_ =	strace $0x8FFFFFFF  }
0x10: {  	s20 =	sld [smem:$0x3FDB];
	_ =	sdelay $0x1  }
0x11: {  	s4 =	simm.s32 $_scs_section_size  }
0x12: {  	s5 =	simm.s32 $_size__tile_overlayer_lowered;
	s6 =	simm.s32 $_tile_overlayer_lowered  }
0x13: {  	s23 =	simm.s32 $0x1BFF;
	s22 =	sshll.u32 s6, $0x1;
	s3 =	sadd.s32 s4, s20  }
0x14: {  	s7 =	simm.s32 $0x0;
	s21 =	sshll.u32 s5, $0x1;
	s5 =	sadd.s32 s22, s3  }
0x15: {  	[timem:s7], [sflag:s23] =	dma.local [hbm:s5], s21  }
0x16: {  	_ =	swait.ge [sflag:s23], s21  }
0x17: {  	s4 =	ssub.s32 $0x0, s21;
	[sflag:s23] =	ssyncset.done $0x0  }
0x18: {  	[sflag:s23] =	ssyncadd.s32 s4;
	_ =	sdelay $0x1  }
0x19: {  	s24 =	simm.s32 $0x1B8B  }
0x1a: {  	_ =	swait.ge [sflag:s24], $0x1  }
0x1b: {  	[sflag:s24] =	ssyncset.done $0x0  }
0x1c: {  	s26 =	simm.s32 $0x1B8E;
	s25 =	sld [smem:$0x3FFE];
	[sflag:s24] =	ssyncadd.s32 $0xFFFFFFFF  }
0x1d: {  	s27 =	simm.s32 $execute0_lowered;
	[smem:$0x3FD2] =	sst s26  }
0x1e: {  	s5 =	sshll.u32 s27, $0x1;
	_ =	strace $0x80000049;
	[dreg:$0x1] =	wrdreg $0xFFFFFFFF  }
0x1f: {  	s28 =	simm.s32 $_size_execute0_lowered;
	s3 =	sadd.s32 s3, s5;
	[dreg:$0x0] =	wrdreg $0x0  }
0x20: {  	s5 =	sshll.u32 s28, $0x1;
	[dreg:$0x2] =	wrdreg s3  }
0x21: {  	[dreg:$0x3] =	wrdreg s5  }
0x22: {  	[dreg:$0x4] =	wrdreg $0xC0  }
0x23: {  	_ =	task [dreg:s7], $0x5FFFF  }
0x24: {  	[dreg:$0x1] =	wrdreg $0xFFFFFFFF  }
0x25: {  	[dreg:$0x0] =	wrdreg $0x60  }
0x26: {  	[dreg:$0x2] =	wrdreg s25  }
0x27: {  	[dreg:$0x3] =	wrdreg s2  }
0x28: {  	[dreg:$0x4] =	wrdreg $0x9  }
0x29: {  	_ =	task.clear_ibuf [dreg:s7], $0x5FFFF;
	_ =	strace $0x90000049  }
0x2a: {  	s29 =	simm.s32 $0x9;
	_ =	strace $0x8000004B  }
0x2b: {  	_ =	swait.ge [sflag:s29], $0x1  }
0x2c: {  	[sflag:s29] =	ssyncadd.s32 $0xFFFFFFFF  }
0x2d: {  	_ =	strace $0x9000004B  }
0x2e: {  	_ =	sfence  }
0x2f: {  	s30 =	sld [smem:$0x0];
	_ =	sdelay $0x2  }
0x30: {  	s31 =	sshll.u32 s1, $0xD;
	s1 =	sshrl.u32 s1, $0x2  }
0x31: {  	s3 =	sand.u32 $0x4000, s31;
	s1 =	sadd.s32 s1, s30  }
0x32: {  	s0 =	sor.u32 s3, s0;
	s1 =	sshll.u32 s1, $0x11  }
0x33: {  	s0 =	sor.u32 s1, s0  }
0x34: {  	s0 =	sadd.s32 $0x8F2B, s0  }
0x35: {  	[sflag:s0] =	ssyncadd.remote.s32 $0x1  }
0x36: {  	_ =	sfence.sel $0xFFFF  }
0x37: {  	[dreg:$0x0] =	wrdreg $0xFFFFFFFF;
	(pc) =	sbr.abs _section_cstart, $3  }
0x38: {  	[dreg:$0x1] =	wrdreg $0xFFFFFFFF  }
0x39: {  	_ =	task.clear_ibuf [dreg:s7], $0x2FFFF;
	_ =	strace $0x9FFFFFFF  }
0x3a: {  	(tm) =	ssettm $0x7FFFFFFF  }
0x3b: {  	_ =	shalt  }
tec
execute0_lowered:
.L_overlay_start_1:
0x0: {  	(tag) =	ssettag $0x1  }
0x1: {  	s0 =	srdreg.scid  }
0x2: {  	s1 =	sshll.u32 s0, $0x4  }
0x3: {  	s0 =	stileid.u32;
	s1 =	sand.u32 $0x10, s1  }
0x4: {  	s1 =	sor.u32 s0, s1  }
0x5: {  	s6 =	rddreg [dreg:$0x0];
	s4 =	simm.s32 $0x1;
	s2 =	sshll.u32 s1, $0x7  }
0x6: {  	s7 =	simm.s32 $0x2;
	s12 =	simm.s32 $0x0;
	s1 =	ssub.s32 $0x1000, s2  }
0x7: {  	s8 =	simm.s32 $0x8000;
	s13 =	simm.s32 $0x0;
	s3 =	sand.u32 $0xF80, s1  }
0x8: {  	s9 =	simm.s32 $0x0;
	s5 =	sshrl.u32 s1, $0xC;
	p0 =	sne.s32 s3, $0x0  }
.Ltmp0:
0x9: {  	s1 =	rddreg [dreg:$0x2];
	s4 =	simm.s32 @!p0 $0x0;
	(pc) =	sbr.rel .LBB1_1-.Ltmp0, $4  }
0xa: {  	s11 =	simm.s32 $0x0;
	s3 =	rddreg [dreg:$0x1];
	s5 =	sadd.s32 s4, s5  }
0xb: {  	_ =	strace $0x8000004A;
	s4 =	simm.s32 $0x1;
	s5 =	smul.u32 $0xC8, s5  }
0xc: {  	s6 =	sadd.s32 $0x800, s6;
	s10 =	smov.u32 s2;
	[sflag:s4] =	ssyncpa.u1 $0x0  }
0xd: {  	p0 =	por $0x0, $0x0;
	[sflag:s7] =	ssyncpa.u1 $0x0;
	s7 =	sor.u32 $0x1, s5  }
.LBB1_4:
0xe: {  	s16 =	sshll.u32 s13, $0x3;
	s17 =	sand.u32 $0x78, s13  }
0xf: {  	s30 =	sand.u32 $0x7E00, s13;
	s12 =	sshll.u32 s12, $0xF;
	s16 =	sand.u32 $0xC00, s16  }
0x10: {  	[tilespmem:s15+$0x810 ss:$0x81] =	vst.msk $0xffff, v2;
	s31 =	sand.u32 $0x7, s13;
	s16 =	sor.u32 s17, s16;
	s17 =	sadd.s32 s3, s30  }
0x11: {  	[tilespmem:s15+$0x1020 ss:$0x81] =	vst.msk $0xffff, v0;
	s13 =	sshll.u32 s31, $0x12;
	s12 =	sadd.s32 s12, s17;
	s16 =	sshrl.u32 s16, $0x3  }
0x12: {  	[tilespmem:s15+$0x0 ss:$0x81] =	vst.msk $0xffff, v1;
	s13 =	sor.u32 $0x400, s13;
	s12 =	sadd.s32 s16, s12  }
0x13: {  	[hbm4b:s12+s13] =	stream.strided.scatter [tilespmem:s14], [sflag:$0x2], $0x2000, s8, s13, $0x20;
	[tilespmem:$0x8080] =	vst v63  }
.LBB1_5:
0x14: {  	s14 =	sadd.s32 $0x1, s9  }
0x15: {  	s12 =	sadd.s32 $0x1000, s10;
	s16 =	smov.u32 s10;
	p2 =	sgt.s32 s14, $0xC7  }
0x16: {  	s16 =	smov.u32 @p2 s12  }
0x17: {  	s14 =	simm.s32 @p2 $0x0;
	p2 =	sgt.s32 s16, $0xFFF  }
0x18: {  	s16 =	smov.u32 @p2 s2;
	p2 =	sne.s32 s11, s7  }
.Ltmp1:
0x19: {  	p1 =	slt.u32 s11, $0x2;
	(pc) =	sbr.rel @!p2 .LBB1_6-.Ltmp1, $4  }
0x1a: {  	s15 =	simm.s32 @!p1 $0x2  }
0x1b: {  	s13 =	smov.u32 s10;
	p0 =	por !p0, !p0;
	_ =	swait.ge @!p1 [sflag:s15], $0x2000  }
0x1c: {  	s12 =	smov.u32 s9;
	[sflag:s15] =	ssyncset.done @!p1 $0x0;
	s9 =	smov.u32 s14  }
0x1d: {  	s11 =	sadd.s32 $0x1, s11;
	[sflag:s15] =	ssyncadd.s32 @!p1 $0xFFFFE000;
	s10 =	smov.u32 s16  }
.LBB1_1:
0x1e: {  	p1 =	sge.u32 s11, s5  }
0x1f: {  	s14 =	sand.u32 @!p1 $0x1FFFFFF, s9  }
0x20: {  	s15 =	smulhi.u32 @!p1 $0x147AE15, s14;
	_ =	sdelay $0x1  }
0x21: {  	s15 =	smul.u32 @!p1 $0xC8, s15  }
0x22: {  	s16 =	sxor.u32 @!p1 $0xFFFFFFFF, s11;
	s17 =	smul.u32 @!p1 $0xC80, s10  }
0x23: {  	s31 =	sadd.s32 $0xFFFFFFFF, s11;
	s16 =	sshll.u32 @!p1 s16, $0xD;
	s14 =	ssub.s32 @!p1 s14, s15  }
0x24: {  	s15 =	sand.u32 @!p1 $0x2000, s16;
	s16 =	sadd.s32 @!p1 s6, s17;
	s14 =	sshll.u32 @!p1 s14, $0x4  }
0x25: {  	s17 =	simm.s32 @!p1 $0x6400;
	s14 =	sadd.s32 @!p1 s14, s16;
	s16 =	simm.s32 @!p1 $0x40  }
0x26: {  	[tilespmem:s15], [sflag:$0x1] =	stream.strided.gather @!p1 [hbm4b:s14+s16], $0x2000, s17, s16, $0x38;
	[tilespmem:$0x8080] =	vst v63  }
0x27: {  	p1 =	sge.u32 s31, s5  }
.Ltmp2:
0x28: {  	_ = 	snop;
	(pc) =	sbr.rel @p1 .LBB1_5-.Ltmp2, $1  }
0x29: {  	_ =	sdelay $0x3  }
0x2a: {  	s14 =	simm.s32 $0x1  }
0x2b: {  	_ =	swait.ge [sflag:s4], $0x2000;
	s14 =	simm.s32 @!p0 $0x0  }
0x2c: {  	[sflag:s4] =	ssyncset.done $0x0;
	s15 =	sshll.u32 s14, $0xD  }
0x2d: {  	[sflag:s4] =	ssyncadd.s32 $0xFFFFE000;
	s18 =	sor.u32 $0x20, s15  }
0x2e: {  	s14 =	smul.u32 $0x8100, s14;
	v3 =	vld [tilespmem:s18+$0x10]  }
0x2f: {  	s30 =	sand.u32 $0x1, s11;
	v2 =	vld [tilespmem:s18+$0xFFFFFFF0]  }
0x30: {  	s15 =	smul.u32 $0x8100, s30;
	s14 =	sshrl.u32 s14, $0x2;
	v0 =	vld [tilespmem:s18+$0x0]  }
0x31: {  	v1 =	vld [tilespmem:s18+$0xFFFFFFE0];
	s16 =	sor.u32 $0x4000, s14  }
0x32: {  	s31 =	sshrl.u32 s15, $0x2;
	s15 =	sadd.s32 $0x0, s16  }
0x33: {  	s17 =	simm.s32 $0x4;
	s18 =	sadd.s32 $0x40, s18;
	s14 =	sor.u32 $0x4000, s31;
	[tilespmem:s15+$0x1830 ss:$0x81] =	vst.msk $0xffff, v3  }
.LBB1_3:
0x34: {  	v3 =	vld [tilespmem:s18+$0x10];
	p1 =	sne.s32 s17, $0x1FC;
	[tilespmem:s15+$0x810 ss:$0x81] =	vst.msk $0xffff, v2;
	s19 =	smov.u32 s17;
	s17 =	sadd.s32 $0x4, s17  }
.Ltmp3:
0x35: {  	v2 =	vld [tilespmem:s18+$0xFFFFFFF0];
	[tilespmem:s15+$0x1020 ss:$0x81] =	vst.msk $0xffff, v0;
	(pc) =	sbr.rel @p1 .LBB1_3-.Ltmp3, $4  }
0x36: {  	v0 =	vld [tilespmem:s18+$0x0];
	[tilespmem:s15+$0x0 ss:$0x81] =	vst.msk $0xffff, v1  }
0x37: {  	s15 =	sshra.s32 s19, $0x2;
	v1 =	vld [tilespmem:s18+$0xFFFFFFE0]  }
0x38: {  	s15 =	sadd.s32 s15, s16  }
0x39: {  	s18 =	sadd.s32 $0x40, s18;
	[tilespmem:s15+$0x1830 ss:$0x81] =	vst.msk $0xffff, v3  }
.Ltmp4:
0x3a: {  	_ = 	snop;
	(pc) =	sbr.rel .LBB1_4-.Ltmp4, $1  }
0x3b: {  	_ =	sdelay $0x3  }
.LBB1_6:
0x3c: {  	_ =	sfence.sel $0x180000  }
0x3d: {  	s2 =	simm.s32 $0x1;
	[bflag:$0x0] =	sbarrier.arrive $0xFFFF  }
0x3e: {  	s31 =	simm.s32 $0x2;
	[sflag:s2] =	ssyncpa.u1 $0x1  }
0x3f: {  	[sflag:s31] =	ssyncpa.u1 $0x1  }
0x40: {  	p0 =	sne.s32 s0, $0x0;
	_ =	strace $0x9000004A  }
0x41: {  	s0 =	sadd.s32 @!p0 $0x100000, s1;
	[bflag:$0x2] =	sbarrier.arrive $0xFFFF  }
0x42: {  	[sflag:s0] =	ssyncadd.tile.s32 @!p0 $0x1;
	_ =	shalt  }
.Lfunc_end1:
_tile_overlayer_lowered:
.L_overlay_start_2:
0x43: {  	(tag) =	ssettag $0x2  }
0x44: {  	s0 =	rddreg [dreg:$0x0];
	s2 =	stileid.u32  }
0x45: {  	s1 =	rddreg [dreg:$0x1];
	p0 =	sne.s32 s2, $0x0  }
0x46: {  	s3 =	rddreg [dreg:$0x2];
	[bflag:$0x3] =	sbarrier.arrive $0xFFFF;
	s2 =	simm.s32 @!p0 $0x1C01  }
0x47: {  	[timem:s3], [sflag:s2] =	dma.local @!p0 [hbm:s0], s1  }
0x48: {  	s0 =	simm.s32 @!p0 $0x1  }
0x49: {  	_ =	swait.ge @!p0 [sflag:s0], s1  }
0x4a: {  	s1 =	ssub.s32 @!p0 $0x0, s1;
	[sflag:s0] =	ssyncset.done @!p0 $0x0  }
0x4b: {  	[sflag:s0] =	ssyncadd.s32 @!p0 s1  }
0x4c: {  	[bflag:$0x3] =	sbarrier.arrive $0xFFFF  }
0x4d: {  	_ =	shalt  }

</sc_bundles>
